<compile_context>
chip_gen: v7x
topology: tpu7x:2x2x1
jax: 0.10.2.dev20260603
libtpu: 0.0.44.dev20260713+nightly
codegen_flags: <defaults>
</compile_context>

<pallas_src>
import functools

import jax
import jax.numpy as jnp
from jax import lax
from jax.experimental import pallas as pl
from jax.experimental.pallas import tpu as pltpu
from jax.experimental.pallas import tpu_sc as plsc

V = 100000
D = 128
K = 40
B = 4096
NEG = 5
GAMMA = 0.001

NC = 2
NS = 16
NW = NC * NS
BPW = B // NW
NCHAIN = 2
SB = BPW // NCHAIN

@functools.cache
def _make_sc_gather():
    mesh = plsc.VectorSubcoreMesh(core_axis_name="c", subcore_axis_name="s")

    @functools.partial(
        pl.kernel,
        out_type=(
            jax.ShapeDtypeStruct((B, D), jnp.float32),
            jax.ShapeDtypeStruct((B, D), jnp.float32),
            jax.ShapeDtypeStruct((B, D), jnp.float32),
        ),
        mesh=mesh,
        scratch_types=[
            pltpu.VMEM((NEG, BPW), jnp.int32),
            pltpu.VMEM((2, BPW), jnp.int32),
            pltpu.VMEM((BPW, D), jnp.float32),
            pltpu.VMEM((BPW, D), jnp.float32),
            pltpu.VMEM((BPW, D), jnp.float32),
            pltpu.SemaphoreType.DMA,
            pltpu.SemaphoreType.DMA,
            pltpu.SemaphoreType.DMA,
        ] + [pltpu.SemaphoreType.DMA] * NCHAIN,
    )
    def _sc_gather(nidx_hbm, uvidx_hbm, table_hbm,
                   u_out, v_out, n_out,
                   idx_n, idx_uv, u_rows, v_rows, n_acc,
                   sem_u, sem_v, sem_i, *sem_c):
        wid = lax.axis_index("s") * NC + lax.axis_index("c")
        base = wid * BPW
        pltpu.sync_copy(nidx_hbm.at[wid], idx_n)
        ci = pltpu.async_copy(uvidx_hbm.at[wid], idx_uv, sem_i)
        chains = [
            pltpu.async_copy(table_hbm.at[idx_n.at[0, pl.ds(s * SB, SB)]],
                             n_acc.at[pl.ds(s * SB, SB)], sem_c[s])
            for s in range(NCHAIN)
        ]
        ci.wait()
        cu = pltpu.async_copy(table_hbm.at[idx_uv.at[0]], u_rows, sem_u)
        cv = pltpu.async_copy(table_hbm.at[idx_uv.at[1]], v_rows, sem_v)
        for j in range(1, NEG):
            for s in range(NCHAIN):
                chains[s].wait()
                chains[s] = pltpu.async_copy(
                    table_hbm.at[idx_n.at[j, pl.ds(s * SB, SB)]],
                    n_acc.at[pl.ds(s * SB, SB)], sem_c[s], add=True)
        cu.wait()
        wu = pltpu.async_copy(u_rows, u_out.at[pl.ds(base, BPW)], sem_u)
        cv.wait()
        wv = pltpu.async_copy(v_rows, v_out.at[pl.ds(base, BPW)], sem_v)
        wns = []
        for s in range(NCHAIN):
            chains[s].wait()
            wns.append(pltpu.async_copy(
                n_acc.at[pl.ds(s * SB, SB)],
                n_out.at[pl.ds(base + s * SB, SB)], sem_c[s]))
        wu.wait()
        wv.wait()
        for w in wns:
            w.wait()

    return _sc_gather


def _log_sigmoid(x):
    return jnp.minimum(x, 0.0) - jnp.log(1.0 + jnp.exp(-jnp.abs(x)))


CB = 2048
NCHUNK = B // CB


def _tc_body(u_ref, v_ref, n_ref, c_ref, out_ref):
    i = pl.program_id(0)
    u = u_ref[...]
    v = v_ref[...]
    ns = n_ref[...]
    onesr = jnp.ones((1, D), jnp.float32)
    pos = lax.dot_general(onesr, u * v, (((1,), (1,)), ((), ())),
                          preferred_element_type=jnp.float32)
    neg = -lax.dot_general(onesr, u * ns, (((1,), (1,)), ((), ())),
                           preferred_element_type=jnp.float32)
    loss_sum = jnp.sum(_log_sigmoid(pos) + _log_sigmoid(neg))
    c = c_ref[...]
    cross_t = lax.dot_general(c, u, (((1,), (1,)), ((), ())),
                              preferred_element_type=jnp.float32)
    cnorm_t = jnp.sum(c * c, axis=1, keepdims=True)
    m = cnorm_t - 2.0 * cross_t
    loss2_sum = jnp.sum(jnp.min(m, axis=0, keepdims=True)) + jnp.sum(u * u)
    partial = -(loss_sum / B) + (GAMMA / B) * loss2_sum

    @pl.when(i == 0)
    def _():
        out_ref[...] = jnp.zeros((1, 1), jnp.float32)

    out_ref[...] += jnp.reshape(partial, (1, 1))


_tc_compute = pl.pallas_call(
    _tc_body,
    grid=(NCHUNK,),
    in_specs=[
        pl.BlockSpec((CB, D), lambda i: (i, 0)),
        pl.BlockSpec((CB, D), lambda i: (i, 0)),
        pl.BlockSpec((CB, D), lambda i: (i, 0)),
        pl.BlockSpec((K, D), lambda i: (0, 0)),
    ],
    out_specs=pl.BlockSpec((1, 1), lambda i: (0, 0)),
    out_shape=jax.ShapeDtypeStruct((1, 1), jnp.float32),
)


def kernel(u_node, v_node, negative_nodes, emb_u_weight, emb_com_weight):
    uv_idx = jnp.stack(
        [u_node.reshape(NW, BPW), v_node.reshape(NW, BPW)],
        axis=1).astype(jnp.int32)
    neg_idx = jnp.transpose(
        negative_nodes.reshape(NW, BPW, NEG), (0, 2, 1)).astype(jnp.int32)
    u_e, v_e, nsum = _make_sc_gather()(neg_idx, uv_idx, emb_u_weight)
    out = _tc_compute(u_e, v_e, nsum, emb_com_weight)
    return out[0, 0]

# --- scband reference (transcript-rebuilt; emitter-appended) ---
"""Pipeline reference for scband-loss-neg-sampling-34394098106800 (READ-ONLY COPY).

The authoritative reference and input builder live on the scoring server;
editing this copy changes nothing except your own understanding.
"""

import jax, jax.numpy as jnp
import numpy as np

V = 100000
D = 128
K = 40
B = 4096
NEG = 5
GAMMA = 0.001


def setup_inputs(seed: int = 0) -> dict:
    key = jax.random.key(seed)
    k1, k2, k3, k4, k5 = jax.random.split(key, 5)
    initrange = (2.0 / (V + D)) ** 0.5
    emb_u_weight = jax.random.uniform(k1, (V, D), minval=-initrange, maxval=initrange, dtype=jnp.float32)
    # embedding_com initialized by copying embeddings of random nodes (as in __init__)
    rnd_nodes = jax.random.randint(k2, (K,), 0, V)
    emb_com_weight = jnp.take(emb_u_weight, rnd_nodes, axis=0)
    u_node = jax.random.randint(k3, (B, 1), 0, V)
    v_node = jax.random.randint(k4, (B, 1), 0, V)
    negative_nodes = jax.random.randint(k5, (B, NEG), 0, V)
    return {
        "u_node": u_node,
        "v_node": v_node,
        "negative_nodes": negative_nodes,
        "emb_u_weight": emb_u_weight,
        "emb_com_weight": emb_com_weight,
    }


def reference(u_node, v_node, negative_nodes, emb_u_weight, emb_com_weight):
    # embedding lookups
    u_embed = jnp.take(emb_u_weight, u_node, axis=0)            # [B, 1, D]
    v_embed = jnp.take(emb_u_weight, v_node, axis=0)            # [B, 1, D]
    negs = -jnp.take(emb_u_weight, negative_nodes, axis=0)      # [B, NEG, D]

    uT = jnp.swapaxes(u_embed, 1, 2)                            # [B, D, 1]
    positive_score = jnp.matmul(v_embed, uT)[:, :, 0]           # [B, 1]
    negative_score = jnp.sum(jnp.matmul(negs, uT)[:, :, 0], axis=1).reshape(
        negative_nodes.shape[0], -1)                            # [B, 1]

    sum_all = jax.nn.log_sigmoid(positive_score) + jax.nn.log_sigmoid(negative_score)
    loss = -jnp.mean(sum_all)

    # clustering regularizer (centroids detached in original via .data)
    n = u_embed.shape[0]
    d = u_embed.shape[2]
    node_emb = u_embed.reshape(n, d)                            # [B, D]
    c_embed = jax.lax.stop_gradient(emb_com_weight)             # [K, D]
    d2 = jnp.sum((node_emb[:, None, :] - c_embed[None, :, :]) ** 2, axis=2)  # [B, K]
    loss2 = jnp.mean(jnp.min(d2, axis=1))

    final_loss = loss + loss2 * GAMMA
    return final_loss

if __name__ == "__main__":
    import jax
    _d = setup_inputs()
    print(jax.jit(kernel)(*tuple(_d.values())))

</pallas_src>

<mosaic_0001>
#map = affine_map<(d0, d1) -> (0, 0, 0)>
#map1 = affine_map<(d0, d1) -> (0, 0)>
module attributes {stable_mosaic.version = 14 : i64} {
  func.func @_sc_gather(%arg0: i32, %arg1: i32, %arg2: memref<32x5x128xi32, #tpu.memory_space<hbm>>, %arg3: memref<32x2x128xi32, #tpu.memory_space<hbm>>, %arg4: memref<100000x128xf32, #tpu.memory_space<hbm>>, %arg5: memref<4096x128xf32, #tpu.memory_space<hbm>>, %arg6: memref<4096x128xf32, #tpu.memory_space<hbm>>, %arg7: memref<4096x128xf32, #tpu.memory_space<hbm>>, %arg8: memref<5x128xi32, #tpu.memory_space<vmem>>, %arg9: memref<2x128xi32, #tpu.memory_space<vmem>>, %arg10: memref<128x128xf32, #tpu.memory_space<vmem>>, %arg11: memref<128x128xf32, #tpu.memory_space<vmem>>, %arg12: memref<128x128xf32, #tpu.memory_space<vmem>>, %arg13: memref<!tpu.dma_semaphore, #tpu.memory_space<semaphore_mem>>, %arg14: memref<!tpu.dma_semaphore, #tpu.memory_space<semaphore_mem>>, %arg15: memref<!tpu.dma_semaphore, #tpu.memory_space<semaphore_mem>>, %arg16: memref<!tpu.dma_semaphore, #tpu.memory_space<semaphore_mem>>, %arg17: memref<!tpu.dma_semaphore, #tpu.memory_space<semaphore_mem>>) attributes {dimension_semantics = [#tpu.dimension_semantics<core_parallel>, #tpu.dimension_semantics<subcore_parallel>], iteration_bounds = array<i64: 2, 16>, scalar_prefetch = 0 : i64, scratch_operands = 10 : i64, tpu.core_type = #tpu.core_type<sc_vector_subcore>, window_params = [{transform_indices = #map}, {transform_indices = #map}, {transform_indices = #map1}, {transform_indices = #map1}, {transform_indices = #map1}, {transform_indices = #map1}]} {
    %mul3A = arith.constant 2 : i32
    %mul3A_0 = arith.muli %arg1, %mul3A : i32
    %add3A = arith.addi %mul3A_0, %arg0 : i32
    %mul3A_1 = arith.constant 128 : i32
    %mul3A_2 = arith.muli %add3A, %mul3A_1 : i32
    "tpu.region"() ({
      %run_scoped3A = tpu.sem_alloc : memref<!tpu.dma_semaphore, #tpu.memory_space<semaphore_mem>>
      %dma_start3A_305 = arith.constant 0 : i32
      %dma_start3A_306 = arith.constant 0 : i32
      %dma_start3A_307 = tpu.memref_slice %arg2[%add3A, %dma_start3A_305, %dma_start3A_306] : memref<32x5x128xi32, #tpu.memory_space<hbm>> -> memref<1x5x128xi32, #tpu.memory_space<hbm>>
      %dma_start3A_308 = tpu.memref_squeeze %dma_start3A_307 : memref<1x5x128xi32, #tpu.memory_space<hbm>> -> memref<5x128xi32, #tpu.memory_space<hbm>>
      %dma_start3A_309 = arith.constant 0 : i32
      %dma_start3A_310 = arith.constant 0 : i32
      %dma_start3A_311 = tpu.memref_slice %arg2[%add3A, %dma_start3A_309, %dma_start3A_310] : memref<32x5x128xi32, #tpu.memory_space<hbm>> -> memref<1x5x128xi32, #tpu.memory_space<hbm>>
      %dma_start3A_312 = tpu.memref_squeeze %dma_start3A_311 : memref<1x5x128xi32, #tpu.memory_space<hbm>> -> memref<5x128xi32, #tpu.memory_space<hbm>>
      tpu.enqueue_dma source(%dma_start3A_312 : memref<5x128xi32, #tpu.memory_space<hbm>>) target(%arg8 : memref<5x128xi32, #tpu.memory_space<vmem>>) target_semaphore(%run_scoped3A : memref<!tpu.dma_semaphore, #tpu.memory_space<semaphore_mem>>)
      %dma_wait3A_313 = arith.constant 0 : i32
      %dma_wait3A_314 = arith.constant 0 : i32
      %dma_wait3A_315 = tpu.memref_slice %arg2[%add3A, %dma_wait3A_313, %dma_wait3A_314] : memref<32x5x128xi32, #tpu.memory_space<hbm>> -> memref<1x5x128xi32, #tpu.memory_space<hbm>>
      %dma_wait3A_316 = tpu.memref_squeeze %dma_wait3A_315 : memref<1x5x128xi32, #tpu.memory_space<hbm>> -> memref<5x128xi32, #tpu.memory_space<hbm>>
      %dma_wait3A_317 = arith.constant 0 : i32
      %dma_wait3A_318 = arith.constant 0 : i32
      %dma_wait3A_319 = tpu.memref_slice %arg2[%add3A, %dma_wait3A_317, %dma_wait3A_318] : memref<32x5x128xi32, #tpu.memory_space<hbm>> -> memref<1x5x128xi32, #tpu.memory_space<hbm>>
      %dma_wait3A_320 = tpu.memref_squeeze %dma_wait3A_319 : memref<1x5x128xi32, #tpu.memory_space<hbm>> -> memref<5x128xi32, #tpu.memory_space<hbm>>
      tpu.wait_dma2 semaphore(%run_scoped3A : memref<!tpu.dma_semaphore, #tpu.memory_space<semaphore_mem>>) src(%dma_wait3A_320 : memref<5x128xi32, #tpu.memory_space<hbm>>) dst(%arg8 : memref<5x128xi32, #tpu.memory_space<vmem>>)
      tpu.yield
    }) : () -> ()
    %dma_start3A = arith.constant 0 : i32
    %dma_start3A_3 = arith.constant 0 : i32
    %dma_start3A_4 = tpu.memref_slice %arg3[%add3A, %dma_start3A, %dma_start3A_3] : memref<32x2x128xi32, #tpu.memory_space<hbm>> -> memref<1x2x128xi32, #tpu.memory_space<hbm>>
    %dma_start3A_5 = tpu.memref_squeeze %dma_start3A_4 : memref<1x2x128xi32, #tpu.memory_space<hbm>> -> memref<2x128xi32, #tpu.memory_space<hbm>>
    %dma_start3A_6 = arith.constant 0 : i32
    %dma_start3A_7 = arith.constant 0 : i32
    %dma_start3A_8 = tpu.memref_slice %arg3[%add3A, %dma_start3A_6, %dma_start3A_7] : memref<32x2x128xi32, #tpu.memory_space<hbm>> -> memref<1x2x128xi32, #tpu.memory_space<hbm>>
    %dma_start3A_9 = tpu.memref_squeeze %dma_start3A_8 : memref<1x2x128xi32, #tpu.memory_space<hbm>> -> memref<2x128xi32, #tpu.memory_space<hbm>>
    tpu.enqueue_dma source(%dma_start3A_9 : memref<2x128xi32, #tpu.memory_space<hbm>>) target(%arg9 : memref<2x128xi32, #tpu.memory_space<vmem>>) target_semaphore(%arg15 : memref<!tpu.dma_semaphore, #tpu.memory_space<semaphore_mem>>)
    %dma_start3A_10 = arith.constant 0 : i32
    %dma_start3A_11 = arith.constant 0 : i32
    %dma_start3A_12 = arith.constant 0 : i32
    %dma_start3A_13 = tpu.memref_slice %arg12[%dma_start3A_11, %dma_start3A_12] : memref<128x128xf32, #tpu.memory_space<vmem>> -> memref<64x128xf32, #tpu.memory_space<vmem>>
    %dma_start3A_14 = arith.constant 0 : i32
    %dma_start3A_15 = tpu.memref_slice %arg8[%dma_start3A_10, %dma_start3A_14] : memref<5x128xi32, #tpu.memory_space<vmem>> -> memref<1x64xi32, #tpu.memory_space<vmem>>
    %dma_start3A_16 = tpu.memref_squeeze %dma_start3A_15 : memref<1x64xi32, #tpu.memory_space<vmem>> -> memref<64xi32, #tpu.memory_space<vmem>>
    %dma_start3A_17 = arith.constant 0 : i32
    %dma_start3A_18 = arith.constant 0 : i32
    %dma_start3A_19 = tpu.memref_slice %arg4[%dma_start3A_17, %dma_start3A_18] : memref<100000x128xf32, #tpu.memory_space<hbm>> -> memref<100000x128xf32, #tpu.memory_space<hbm>>
    tpu.enqueue_indirect_dma source(%dma_start3A_19 : memref<100000x128xf32, #tpu.memory_space<hbm>>) target(%dma_start3A_13 : memref<64x128xf32, #tpu.memory_space<vmem>>) offsets(%dma_start3A_16 : memref<64xi32, #tpu.memory_space<vmem>>) semaphore(%arg16 : memref<!tpu.dma_semaphore, #tpu.memory_space<semaphore_mem>>)
    %dma_start3A_20 = arith.constant 0 : i32
    %dma_start3A_21 = arith.constant 64 : i32
    %dma_start3A_22 = arith.constant 0 : i32
    %dma_start3A_23 = tpu.memref_slice %arg12[%dma_start3A_21, %dma_start3A_22] : memref<128x128xf32, #tpu.memory_space<vmem>> -> memref<64x128xf32, #tpu.memory_space<vmem>>
    %dma_start3A_24 = arith.constant 64 : i32
    %dma_start3A_25 = tpu.memref_slice %arg8[%dma_start3A_20, %dma_start3A_24] : memref<5x128xi32, #tpu.memory_space<vmem>> -> memref<1x64xi32, #tpu.memory_space<vmem>>
    %dma_start3A_26 = tpu.memref_squeeze %dma_start3A_25 : memref<1x64xi32, #tpu.memory_space<vmem>> -> memref<64xi32, #tpu.memory_space<vmem>>
    %dma_start3A_27 = arith.constant 0 : i32
    %dma_start3A_28 = arith.constant 0 : i32
    %dma_start3A_29 = tpu.memref_slice %arg4[%dma_start3A_27, %dma_start3A_28] : memref<100000x128xf32, #tpu.memory_space<hbm>> -> memref<100000x128xf32, #tpu.memory_space<hbm>>
    tpu.enqueue_indirect_dma source(%dma_start3A_29 : memref<100000x128xf32, #tpu.memory_space<hbm>>) target(%dma_start3A_23 : memref<64x128xf32, #tpu.memory_space<vmem>>) offsets(%dma_start3A_26 : memref<64xi32, #tpu.memory_space<vmem>>) semaphore(%arg17 : memref<!tpu.dma_semaphore, #tpu.memory_space<semaphore_mem>>)
    %dma_wait3A = arith.constant 0 : i32
    %dma_wait3A_30 = arith.constant 0 : i32
    %dma_wait3A_31 = tpu.memref_slice %arg3[%add3A, %dma_wait3A, %dma_wait3A_30] : memref<32x2x128xi32, #tpu.memory_space<hbm>> -> memref<1x2x128xi32, #tpu.memory_space<hbm>>
    %dma_wait3A_32 = tpu.memref_squeeze %dma_wait3A_31 : memref<1x2x128xi32, #tpu.memory_space<hbm>> -> memref<2x128xi32, #tpu.memory_space<hbm>>
    %dma_wait3A_33 = arith.constant 0 : i32
    %dma_wait3A_34 = arith.constant 0 : i32
    %dma_wait3A_35 = tpu.memref_slice %arg3[%add3A, %dma_wait3A_33, %dma_wait3A_34] : memref<32x2x128xi32, #tpu.memory_space<hbm>> -> memref<1x2x128xi32, #tpu.memory_space<hbm>>
    %dma_wait3A_36 = tpu.memref_squeeze %dma_wait3A_35 : memref<1x2x128xi32, #tpu.memory_space<hbm>> -> memref<2x128xi32, #tpu.memory_space<hbm>>
    tpu.wait_dma2 semaphore(%arg15 : memref<!tpu.dma_semaphore, #tpu.memory_space<semaphore_mem>>) src(%dma_wait3A_36 : memref<2x128xi32, #tpu.memory_space<hbm>>) dst(%arg9 : memref<2x128xi32, #tpu.memory_space<vmem>>)
    %dma_start3A_37 = arith.constant 0 : i32
    %dma_start3A_38 = arith.constant 0 : i32
    %dma_start3A_39 = tpu.memref_slice %arg9[%dma_start3A_37, %dma_start3A_38] : memref<2x128xi32, #tpu.memory_space<vmem>> -> memref<1x128xi32, #tpu.memory_space<vmem>>
    %dma_start3A_40 = tpu.memref_squeeze %dma_start3A_39 : memref<1x128xi32, #tpu.memory_space<vmem>> -> memref<128xi32, #tpu.memory_space<vmem>>
    %dma_start3A_41 = arith.constant 0 : i32
    %dma_start3A_42 = arith.constant 0 : i32
    %dma_start3A_43 = tpu.memref_slice %arg4[%dma_start3A_41, %dma_start3A_42] : memref<100000x128xf32, #tpu.memory_space<hbm>> -> memref<100000x128xf32, #tpu.memory_space<hbm>>
    tpu.enqueue_indirect_dma source(%dma_start3A_43 : memref<100000x128xf32, #tpu.memory_space<hbm>>) target(%arg10 : memref<128x128xf32, #tpu.memory_space<vmem>>) offsets(%dma_start3A_40 : memref<128xi32, #tpu.memory_space<vmem>>) semaphore(%arg13 : memref<!tpu.dma_semaphore, #tpu.memory_space<semaphore_mem>>)
    %dma_start3A_44 = arith.constant 1 : i32
    %dma_start3A_45 = arith.constant 0 : i32
    %dma_start3A_46 = tpu.memref_slice %arg9[%dma_start3A_44, %dma_start3A_45] : memref<2x128xi32, #tpu.memory_space<vmem>> -> memref<1x128xi32, #tpu.memory_space<vmem>>
    %dma_start3A_47 = tpu.memref_squeeze %dma_start3A_46 : memref<1x128xi32, #tpu.memory_space<vmem>> -> memref<128xi32, #tpu.memory_space<vmem>>
    %dma_start3A_48 = arith.constant 0 : i32
    %dma_start3A_49 = arith.constant 0 : i32
    %dma_start3A_50 = tpu.memref_slice %arg4[%dma_start3A_48, %dma_start3A_49] : memref<100000x128xf32, #tpu.memory_space<hbm>> -> memref<100000x128xf32, #tpu.memory_space<hbm>>
    tpu.enqueue_indirect_dma source(%dma_start3A_50 : memref<100000x128xf32, #tpu.memory_space<hbm>>) target(%arg11 : memref<128x128xf32, #tpu.memory_space<vmem>>) offsets(%dma_start3A_47 : memref<128xi32, #tpu.memory_space<vmem>>) semaphore(%arg14 : memref<!tpu.dma_semaphore, #tpu.memory_space<semaphore_mem>>)
    %dma_wait3A_51 = arith.constant 0 : i32
    %dma_wait3A_52 = arith.constant 0 : i32
    %dma_wait3A_53 = arith.constant 0 : i32
    %dma_wait3A_54 = tpu.memref_slice %arg12[%dma_wait3A_52, %dma_wait3A_53] : memref<128x128xf32, #tpu.memory_space<vmem>> -> memref<64x128xf32, #tpu.memory_space<vmem>>
    %dma_wait3A_55 = arith.constant 0 : i32
    %dma_wait3A_56 = tpu.memref_slice %arg8[%dma_wait3A_51, %dma_wait3A_55] : memref<5x128xi32, #tpu.memory_space<vmem>> -> memref<1x64xi32, #tpu.memory_space<vmem>>
    %dma_wait3A_57 = tpu.memref_squeeze %dma_wait3A_56 : memref<1x64xi32, #tpu.memory_space<vmem>> -> memref<64xi32, #tpu.memory_space<vmem>>
    %dma_wait3A_58 = arith.constant 0 : i32
    %dma_wait3A_59 = arith.constant 0 : i32
    %dma_wait3A_60 = tpu.memref_slice %arg4[%dma_wait3A_58, %dma_wait3A_59] : memref<100000x128xf32, #tpu.memory_space<hbm>> -> memref<100000x128xf32, #tpu.memory_space<hbm>>
    tpu.wait_indirect_dma semaphore(%arg16 : memref<!tpu.dma_semaphore, #tpu.memory_space<semaphore_mem>>) src(%dma_wait3A_60 : memref<100000x128xf32, #tpu.memory_space<hbm>>) dst(%dma_wait3A_54 : memref<64x128xf32, #tpu.memory_space<vmem>>)
    %dma_start3A_61 = arith.constant 1 : i32
    %dma_start3A_62 = arith.constant 0 : i32
    %dma_start3A_63 = arith.constant 0 : i32
    %dma_start3A_64 = tpu.memref_slice %arg12[%dma_start3A_62, %dma_start3A_63] : memref<128x128xf32, #tpu.memory_space<vmem>> -> memref<64x128xf32, #tpu.memory_space<vmem>>
    %dma_start3A_65 = arith.constant 0 : i32
    %dma_start3A_66 = tpu.memref_slice %arg8[%dma_start3A_61, %dma_start3A_65] : memref<5x128xi32, #tpu.memory_space<vmem>> -> memref<1x64xi32, #tpu.memory_space<vmem>>
    %dma_start3A_67 = tpu.memref_squeeze %dma_start3A_66 : memref<1x64xi32, #tpu.memory_space<vmem>> -> memref<64xi32, #tpu.memory_space<vmem>>
    %dma_start3A_68 = arith.constant 0 : i32
    %dma_start3A_69 = arith.constant 0 : i32
    %dma_start3A_70 = tpu.memref_slice %arg4[%dma_start3A_68, %dma_start3A_69] : memref<100000x128xf32, #tpu.memory_space<hbm>> -> memref<100000x128xf32, #tpu.memory_space<hbm>>
    tpu.enqueue_indirect_dma source(%dma_start3A_70 : memref<100000x128xf32, #tpu.memory_space<hbm>>) target(%dma_start3A_64 : memref<64x128xf32, #tpu.memory_space<vmem>>) offsets(%dma_start3A_67 : memref<64xi32, #tpu.memory_space<vmem>>) semaphore(%arg16 : memref<!tpu.dma_semaphore, #tpu.memory_space<semaphore_mem>>) {add = true}
    %dma_wait3A_71 = arith.constant 0 : i32
    %dma_wait3A_72 = arith.constant 64 : i32
    %dma_wait3A_73 = arith.constant 0 : i32
    %dma_wait3A_74 = tpu.memref_slice %arg12[%dma_wait3A_72, %dma_wait3A_73] : memref<128x128xf32, #tpu.memory_space<vmem>> -> memref<64x128xf32, #tpu.memory_space<vmem>>
    %dma_wait3A_75 = arith.constant 64 : i32
    %dma_wait3A_76 = tpu.memref_slice %arg8[%dma_wait3A_71, %dma_wait3A_75] : memref<5x128xi32, #tpu.memory_space<vmem>> -> memref<1x64xi32, #tpu.memory_space<vmem>>
    %dma_wait3A_77 = tpu.memref_squeeze %dma_wait3A_76 : memref<1x64xi32, #tpu.memory_space<vmem>> -> memref<64xi32, #tpu.memory_space<vmem>>
    %dma_wait3A_78 = arith.constant 0 : i32
    %dma_wait3A_79 = arith.constant 0 : i32
    %dma_wait3A_80 = tpu.memref_slice %arg4[%dma_wait3A_78, %dma_wait3A_79] : memref<100000x128xf32, #tpu.memory_space<hbm>> -> memref<100000x128xf32, #tpu.memory_space<hbm>>
    tpu.wait_indirect_dma semaphore(%arg17 : memref<!tpu.dma_semaphore, #tpu.memory_space<semaphore_mem>>) src(%dma_wait3A_80 : memref<100000x128xf32, #tpu.memory_space<hbm>>) dst(%dma_wait3A_74 : memref<64x128xf32, #tpu.memory_space<vmem>>)
    %dma_start3A_81 = arith.constant 1 : i32
    %dma_start3A_82 = arith.constant 64 : i32
    %dma_start3A_83 = arith.constant 0 : i32
    %dma_start3A_84 = tpu.memref_slice %arg12[%dma_start3A_82, %dma_start3A_83] : memref<128x128xf32, #tpu.memory_space<vmem>> -> memref<64x128xf32, #tpu.memory_space<vmem>>
    %dma_start3A_85 = arith.constant 64 : i32
    %dma_start3A_86 = tpu.memref_slice %arg8[%dma_start3A_81, %dma_start3A_85] : memref<5x128xi32, #tpu.memory_space<vmem>> -> memref<1x64xi32, #tpu.memory_space<vmem>>
    %dma_start3A_87 = tpu.memref_squeeze %dma_start3A_86 : memref<1x64xi32, #tpu.memory_space<vmem>> -> memref<64xi32, #tpu.memory_space<vmem>>
    %dma_start3A_88 = arith.constant 0 : i32
    %dma_start3A_89 = arith.constant 0 : i32
    %dma_start3A_90 = tpu.memref_slice %arg4[%dma_start3A_88, %dma_start3A_89] : memref<100000x128xf32, #tpu.memory_space<hbm>> -> memref<100000x128xf32, #tpu.memory_space<hbm>>
    tpu.enqueue_indirect_dma source(%dma_start3A_90 : memref<100000x128xf32, #tpu.memory_space<hbm>>) target(%dma_start3A_84 : memref<64x128xf32, #tpu.memory_space<vmem>>) offsets(%dma_start3A_87 : memref<64xi32, #tpu.memory_space<vmem>>) semaphore(%arg17 : memref<!tpu.dma_semaphore, #tpu.memory_space<semaphore_mem>>) {add = true}
    %dma_wait3A_91 = arith.constant 1 : i32
    %dma_wait3A_92 = arith.constant 0 : i32
    %dma_wait3A_93 = arith.constant 0 : i32
    %dma_wait3A_94 = tpu.memref_slice %arg12[%dma_wait3A_92, %dma_wait3A_93] : memref<128x128xf32, #tpu.memory_space<vmem>> -> memref<64x128xf32, #tpu.memory_space<vmem>>
    %dma_wait3A_95 = arith.constant 0 : i32
    %dma_wait3A_96 = tpu.memref_slice %arg8[%dma_wait3A_91, %dma_wait3A_95] : memref<5x128xi32, #tpu.memory_space<vmem>> -> memref<1x64xi32, #tpu.memory_space<vmem>>
    %dma_wait3A_97 = tpu.memref_squeeze %dma_wait3A_96 : memref<1x64xi32, #tpu.memory_space<vmem>> -> memref<64xi32, #tpu.memory_space<vmem>>
    %dma_wait3A_98 = arith.constant 0 : i32
    %dma_wait3A_99 = arith.constant 0 : i32
    %dma_wait3A_100 = tpu.memref_slice %arg4[%dma_wait3A_98, %dma_wait3A_99] : memref<100000x128xf32, #tpu.memory_space<hbm>> -> memref<100000x128xf32, #tpu.memory_space<hbm>>
    tpu.wait_indirect_dma semaphore(%arg16 : memref<!tpu.dma_semaphore, #tpu.memory_space<semaphore_mem>>) src(%dma_wait3A_100 : memref<100000x128xf32, #tpu.memory_space<hbm>>) dst(%dma_wait3A_94 : memref<64x128xf32, #tpu.memory_space<vmem>>)
    %dma_start3A_101 = arith.constant 2 : i32
    %dma_start3A_102 = arith.constant 0 : i32
    %dma_start3A_103 = arith.constant 0 : i32
    %dma_start3A_104 = tpu.memref_slice %arg12[%dma_start3A_102, %dma_start3A_103] : memref<128x128xf32, #tpu.memory_space<vmem>> -> memref<64x128xf32, #tpu.memory_space<vmem>>
    %dma_start3A_105 = arith.constant 0 : i32
    %dma_start3A_106 = tpu.memref_slice %arg8[%dma_start3A_101, %dma_start3A_105] : memref<5x128xi32, #tpu.memory_space<vmem>> -> memref<1x64xi32, #tpu.memory_space<vmem>>
    %dma_start3A_107 = tpu.memref_squeeze %dma_start3A_106 : memref<1x64xi32, #tpu.memory_space<vmem>> -> memref<64xi32, #tpu.memory_space<vmem>>
    %dma_start3A_108 = arith.constant 0 : i32
    %dma_start3A_109 = arith.constant 0 : i32
    %dma_start3A_110 = tpu.memref_slice %arg4[%dma_start3A_108, %dma_start3A_109] : memref<100000x128xf32, #tpu.memory_space<hbm>> -> memref<100000x128xf32, #tpu.memory_space<hbm>>
    tpu.enqueue_indirect_dma source(%dma_start3A_110 : memref<100000x128xf32, #tpu.memory_space<hbm>>) target(%dma_start3A_104 : memref<64x128xf32, #tpu.memory_space<vmem>>) offsets(%dma_start3A_107 : memref<64xi32, #tpu.memory_space<vmem>>) semaphore(%arg16 : memref<!tpu.dma_semaphore, #tpu.memory_space<semaphore_mem>>) {add = true}
    %dma_wait3A_111 = arith.constant 1 : i32
    %dma_wait3A_112 = arith.constant 64 : i32
    %dma_wait3A_113 = arith.constant 0 : i32
    %dma_wait3A_114 = tpu.memref_slice %arg12[%dma_wait3A_112, %dma_wait3A_113] : memref<128x128xf32, #tpu.memory_space<vmem>> -> memref<64x128xf32, #tpu.memory_space<vmem>>
    %dma_wait3A_115 = arith.constant 64 : i32
    %dma_wait3A_116 = tpu.memref_slice %arg8[%dma_wait3A_111, %dma_wait3A_115] : memref<5x128xi32, #tpu.memory_space<vmem>> -> memref<1x64xi32, #tpu.memory_space<vmem>>
    %dma_wait3A_117 = tpu.memref_squeeze %dma_wait3A_116 : memref<1x64xi32, #tpu.memory_space<vmem>> -> memref<64xi32, #tpu.memory_space<vmem>>
    %dma_wait3A_118 = arith.constant 0 : i32
    %dma_wait3A_119 = arith.constant 0 : i32
    %dma_wait3A_120 = tpu.memref_slice %arg4[%dma_wait3A_118, %dma_wait3A_119] : memref<100000x128xf32, #tpu.memory_space<hbm>> -> memref<100000x128xf32, #tpu.memory_space<hbm>>
    tpu.wait_indirect_dma semaphore(%arg17 : memref<!tpu.dma_semaphore, #tpu.memory_space<semaphore_mem>>) src(%dma_wait3A_120 : memref<100000x128xf32, #tpu.memory_space<hbm>>) dst(%dma_wait3A_114 : memref<64x128xf32, #tpu.memory_space<vmem>>)
    %dma_start3A_121 = arith.constant 2 : i32
    %dma_start3A_122 = arith.constant 64 : i32
    %dma_start3A_123 = arith.constant 0 : i32
    %dma_start3A_124 = tpu.memref_slice %arg12[%dma_start3A_122, %dma_start3A_123] : memref<128x128xf32, #tpu.memory_space<vmem>> -> memref<64x128xf32, #tpu.memory_space<vmem>>
    %dma_start3A_125 = arith.constant 64 : i32
    %dma_start3A_126 = tpu.memref_slice %arg8[%dma_start3A_121, %dma_start3A_125] : memref<5x128xi32, #tpu.memory_space<vmem>> -> memref<1x64xi32, #tpu.memory_space<vmem>>
    %dma_start3A_127 = tpu.memref_squeeze %dma_start3A_126 : memref<1x64xi32, #tpu.memory_space<vmem>> -> memref<64xi32, #tpu.memory_space<vmem>>
    %dma_start3A_128 = arith.constant 0 : i32
    %dma_start3A_129 = arith.constant 0 : i32
    %dma_start3A_130 = tpu.memref_slice %arg4[%dma_start3A_128, %dma_start3A_129] : memref<100000x128xf32, #tpu.memory_space<hbm>> -> memref<100000x128xf32, #tpu.memory_space<hbm>>
    tpu.enqueue_indirect_dma source(%dma_start3A_130 : memref<100000x128xf32, #tpu.memory_space<hbm>>) target(%dma_start3A_124 : memref<64x128xf32, #tpu.memory_space<vmem>>) offsets(%dma_start3A_127 : memref<64xi32, #tpu.memory_space<vmem>>) semaphore(%arg17 : memref<!tpu.dma_semaphore, #tpu.memory_space<semaphore_mem>>) {add = true}
    %dma_wait3A_131 = arith.constant 2 : i32
    %dma_wait3A_132 = arith.constant 0 : i32
    %dma_wait3A_133 = arith.constant 0 : i32
    %dma_wait3A_134 = tpu.memref_slice %arg12[%dma_wait3A_132, %dma_wait3A_133] : memref<128x128xf32, #tpu.memory_space<vmem>> -> memref<64x128xf32, #tpu.memory_space<vmem>>
    %dma_wait3A_135 = arith.constant 0 : i32
    %dma_wait3A_136 = tpu.memref_slice %arg8[%dma_wait3A_131, %dma_wait3A_135] : memref<5x128xi32, #tpu.memory_space<vmem>> -> memref<1x64xi32, #tpu.memory_space<vmem>>
    %dma_wait3A_137 = tpu.memref_squeeze %dma_wait3A_136 : memref<1x64xi32, #tpu.memory_space<vmem>> -> memref<64xi32, #tpu.memory_space<vmem>>
    %dma_wait3A_138 = arith.constant 0 : i32
    %dma_wait3A_139 = arith.constant 0 : i32
    %dma_wait3A_140 = tpu.memref_slice %arg4[%dma_wait3A_138, %dma_wait3A_139] : memref<100000x128xf32, #tpu.memory_space<hbm>> -> memref<100000x128xf32, #tpu.memory_space<hbm>>
    tpu.wait_indirect_dma semaphore(%arg16 : memref<!tpu.dma_semaphore, #tpu.memory_space<semaphore_mem>>) src(%dma_wait3A_140 : memref<100000x128xf32, #tpu.memory_space<hbm>>) dst(%dma_wait3A_134 : memref<64x128xf32, #tpu.memory_space<vmem>>)
    %dma_start3A_141 = arith.constant 3 : i32
    %dma_start3A_142 = arith.constant 0 : i32
    %dma_start3A_143 = arith.constant 0 : i32
    %dma_start3A_144 = tpu.memref_slice %arg12[%dma_start3A_142, %dma_start3A_143] : memref<128x128xf32, #tpu.memory_space<vmem>> -> memref<64x128xf32, #tpu.memory_space<vmem>>
    %dma_start3A_145 = arith.constant 0 : i32
    %dma_start3A_146 = tpu.memref_slice %arg8[%dma_start3A_141, %dma_start3A_145] : memref<5x128xi32, #tpu.memory_space<vmem>> -> memref<1x64xi32, #tpu.memory_space<vmem>>
    %dma_start3A_147 = tpu.memref_squeeze %dma_start3A_146 : memref<1x64xi32, #tpu.memory_space<vmem>> -> memref<64xi32, #tpu.memory_space<vmem>>
    %dma_start3A_148 = arith.constant 0 : i32
    %dma_start3A_149 = arith.constant 0 : i32
    %dma_start3A_150 = tpu.memref_slice %arg4[%dma_start3A_148, %dma_start3A_149] : memref<100000x128xf32, #tpu.memory_space<hbm>> -> memref<100000x128xf32, #tpu.memory_space<hbm>>
    tpu.enqueue_indirect_dma source(%dma_start3A_150 : memref<100000x128xf32, #tpu.memory_space<hbm>>) target(%dma_start3A_144 : memref<64x128xf32, #tpu.memory_space<vmem>>) offsets(%dma_start3A_147 : memref<64xi32, #tpu.memory_space<vmem>>) semaphore(%arg16 : memref<!tpu.dma_semaphore, #tpu.memory_space<semaphore_mem>>) {add = true}
    %dma_wait3A_151 = arith.constant 2 : i32
    %dma_wait3A_152 = arith.constant 64 : i32
    %dma_wait3A_153 = arith.constant 0 : i32
    %dma_wait3A_154 = tpu.memref_slice %arg12[%dma_wait3A_152, %dma_wait3A_153] : memref<128x128xf32, #tpu.memory_space<vmem>> -> memref<64x128xf32, #tpu.memory_space<vmem>>
    %dma_wait3A_155 = arith.constant 64 : i32
    %dma_wait3A_156 = tpu.memref_slice %arg8[%dma_wait3A_151, %dma_wait3A_155] : memref<5x128xi32, #tpu.memory_space<vmem>> -> memref<1x64xi32, #tpu.memory_space<vmem>>
    %dma_wait3A_157 = tpu.memref_squeeze %dma_wait3A_156 : memref<1x64xi32, #tpu.memory_space<vmem>> -> memref<64xi32, #tpu.memory_space<vmem>>
    %dma_wait3A_158 = arith.constant 0 : i32
    %dma_wait3A_159 = arith.constant 0 : i32
    %dma_wait3A_160 = tpu.memref_slice %arg4[%dma_wait3A_158, %dma_wait3A_159] : memref<100000x128xf32, #tpu.memory_space<hbm>> -> memref<100000x128xf32, #tpu.memory_space<hbm>>
    tpu.wait_indirect_dma semaphore(%arg17 : memref<!tpu.dma_semaphore, #tpu.memory_space<semaphore_mem>>) src(%dma_wait3A_160 : memref<100000x128xf32, #tpu.memory_space<hbm>>) dst(%dma_wait3A_154 : memref<64x128xf32, #tpu.memory_space<vmem>>)
    %dma_start3A_161 = arith.constant 3 : i32
    %dma_start3A_162 = arith.constant 64 : i32
    %dma_start3A_163 = arith.constant 0 : i32
    %dma_start3A_164 = tpu.memref_slice %arg12[%dma_start3A_162, %dma_start3A_163] : memref<128x128xf32, #tpu.memory_space<vmem>> -> memref<64x128xf32, #tpu.memory_space<vmem>>
    %dma_start3A_165 = arith.constant 64 : i32
    %dma_start3A_166 = tpu.memref_slice %arg8[%dma_start3A_161, %dma_start3A_165] : memref<5x128xi32, #tpu.memory_space<vmem>> -> memref<1x64xi32, #tpu.memory_space<vmem>>
    %dma_start3A_167 = tpu.memref_squeeze %dma_start3A_166 : memref<1x64xi32, #tpu.memory_space<vmem>> -> memref<64xi32, #tpu.memory_space<vmem>>
    %dma_start3A_168 = arith.constant 0 : i32
    %dma_start3A_169 = arith.constant 0 : i32
    %dma_start3A_170 = tpu.memref_slice %arg4[%dma_start3A_168, %dma_start3A_169] : memref<100000x128xf32, #tpu.memory_space<hbm>> -> memref<100000x128xf32, #tpu.memory_space<hbm>>
    tpu.enqueue_indirect_dma source(%dma_start3A_170 : memref<100000x128xf32, #tpu.memory_space<hbm>>) target(%dma_start3A_164 : memref<64x128xf32, #tpu.memory_space<vmem>>) offsets(%dma_start3A_167 : memref<64xi32, #tpu.memory_space<vmem>>) semaphore(%arg17 : memref<!tpu.dma_semaphore, #tpu.memory_space<semaphore_mem>>) {add = true}
    %dma_wait3A_171 = arith.constant 3 : i32
    %dma_wait3A_172 = arith.constant 0 : i32
    %dma_wait3A_173 = arith.constant 0 : i32
    %dma_wait3A_174 = tpu.memref_slice %arg12[%dma_wait3A_172, %dma_wait3A_173] : memref<128x128xf32, #tpu.memory_space<vmem>> -> memref<64x128xf32, #tpu.memory_space<vmem>>
    %dma_wait3A_175 = arith.constant 0 : i32
    %dma_wait3A_176 = tpu.memref_slice %arg8[%dma_wait3A_171, %dma_wait3A_175] : memref<5x128xi32, #tpu.memory_space<vmem>> -> memref<1x64xi32, #tpu.memory_space<vmem>>
    %dma_wait3A_177 = tpu.memref_squeeze %dma_wait3A_176 : memref<1x64xi32, #tpu.memory_space<vmem>> -> memref<64xi32, #tpu.memory_space<vmem>>
    %dma_wait3A_178 = arith.constant 0 : i32
    %dma_wait3A_179 = arith.constant 0 : i32
    %dma_wait3A_180 = tpu.memref_slice %arg4[%dma_wait3A_178, %dma_wait3A_179] : memref<100000x128xf32, #tpu.memory_space<hbm>> -> memref<100000x128xf32, #tpu.memory_space<hbm>>
    tpu.wait_indirect_dma semaphore(%arg16 : memref<!tpu.dma_semaphore, #tpu.memory_space<semaphore_mem>>) src(%dma_wait3A_180 : memref<100000x128xf32, #tpu.memory_space<hbm>>) dst(%dma_wait3A_174 : memref<64x128xf32, #tpu.memory_space<vmem>>)
    %dma_start3A_181 = arith.constant 4 : i32
    %dma_start3A_182 = arith.constant 0 : i32
    %dma_start3A_183 = arith.constant 0 : i32
    %dma_start3A_184 = tpu.memref_slice %arg12[%dma_start3A_182, %dma_start3A_183] : memref<128x128xf32, #tpu.memory_space<vmem>> -> memref<64x128xf32, #tpu.memory_space<vmem>>
    %dma_start3A_185 = arith.constant 0 : i32
    %dma_start3A_186 = tpu.memref_slice %arg8[%dma_start3A_181, %dma_start3A_185] : memref<5x128xi32, #tpu.memory_space<vmem>> -> memref<1x64xi32, #tpu.memory_space<vmem>>
    %dma_start3A_187 = tpu.memref_squeeze %dma_start3A_186 : memref<1x64xi32, #tpu.memory_space<vmem>> -> memref<64xi32, #tpu.memory_space<vmem>>
    %dma_start3A_188 = arith.constant 0 : i32
    %dma_start3A_189 = arith.constant 0 : i32
    %dma_start3A_190 = tpu.memref_slice %arg4[%dma_start3A_188, %dma_start3A_189] : memref<100000x128xf32, #tpu.memory_space<hbm>> -> memref<100000x128xf32, #tpu.memory_space<hbm>>
    tpu.enqueue_indirect_dma source(%dma_start3A_190 : memref<100000x128xf32, #tpu.memory_space<hbm>>) target(%dma_start3A_184 : memref<64x128xf32, #tpu.memory_space<vmem>>) offsets(%dma_start3A_187 : memref<64xi32, #tpu.memory_space<vmem>>) semaphore(%arg16 : memref<!tpu.dma_semaphore, #tpu.memory_space<semaphore_mem>>) {add = true}
    %dma_wait3A_191 = arith.constant 3 : i32
    %dma_wait3A_192 = arith.constant 64 : i32
    %dma_wait3A_193 = arith.constant 0 : i32
    %dma_wait3A_194 = tpu.memref_slice %arg12[%dma_wait3A_192, %dma_wait3A_193] : memref<128x128xf32, #tpu.memory_space<vmem>> -> memref<64x128xf32, #tpu.memory_space<vmem>>
    %dma_wait3A_195 = arith.constant 64 : i32
    %dma_wait3A_196 = tpu.memref_slice %arg8[%dma_wait3A_191, %dma_wait3A_195] : memref<5x128xi32, #tpu.memory_space<vmem>> -> memref<1x64xi32, #tpu.memory_space<vmem>>
    %dma_wait3A_197 = tpu.memref_squeeze %dma_wait3A_196 : memref<1x64xi32, #tpu.memory_space<vmem>> -> memref<64xi32, #tpu.memory_space<vmem>>
    %dma_wait3A_198 = arith.constant 0 : i32
    %dma_wait3A_199 = arith.constant 0 : i32
    %dma_wait3A_200 = tpu.memref_slice %arg4[%dma_wait3A_198, %dma_wait3A_199] : memref<100000x128xf32, #tpu.memory_space<hbm>> -> memref<100000x128xf32, #tpu.memory_space<hbm>>
    tpu.wait_indirect_dma semaphore(%arg17 : memref<!tpu.dma_semaphore, #tpu.memory_space<semaphore_mem>>) src(%dma_wait3A_200 : memref<100000x128xf32, #tpu.memory_space<hbm>>) dst(%dma_wait3A_194 : memref<64x128xf32, #tpu.memory_space<vmem>>)
    %dma_start3A_201 = arith.constant 4 : i32
    %dma_start3A_202 = arith.constant 64 : i32
    %dma_start3A_203 = arith.constant 0 : i32
    %dma_start3A_204 = tpu.memref_slice %arg12[%dma_start3A_202, %dma_start3A_203] : memref<128x128xf32, #tpu.memory_space<vmem>> -> memref<64x128xf32, #tpu.memory_space<vmem>>
    %dma_start3A_205 = arith.constant 64 : i32
    %dma_start3A_206 = tpu.memref_slice %arg8[%dma_start3A_201, %dma_start3A_205] : memref<5x128xi32, #tpu.memory_space<vmem>> -> memref<1x64xi32, #tpu.memory_space<vmem>>
    %dma_start3A_207 = tpu.memref_squeeze %dma_start3A_206 : memref<1x64xi32, #tpu.memory_space<vmem>> -> memref<64xi32, #tpu.memory_space<vmem>>
    %dma_start3A_208 = arith.constant 0 : i32
    %dma_start3A_209 = arith.constant 0 : i32
    %dma_start3A_210 = tpu.memref_slice %arg4[%dma_start3A_208, %dma_start3A_209] : memref<100000x128xf32, #tpu.memory_space<hbm>> -> memref<100000x128xf32, #tpu.memory_space<hbm>>
    tpu.enqueue_indirect_dma source(%dma_start3A_210 : memref<100000x128xf32, #tpu.memory_space<hbm>>) target(%dma_start3A_204 : memref<64x128xf32, #tpu.memory_space<vmem>>) offsets(%dma_start3A_207 : memref<64xi32, #tpu.memory_space<vmem>>) semaphore(%arg17 : memref<!tpu.dma_semaphore, #tpu.memory_space<semaphore_mem>>) {add = true}
    %dma_wait3A_211 = arith.constant 0 : i32
    %dma_wait3A_212 = arith.constant 0 : i32
    %dma_wait3A_213 = tpu.memref_slice %arg9[%dma_wait3A_211, %dma_wait3A_212] : memref<2x128xi32, #tpu.memory_space<vmem>> -> memref<1x128xi32, #tpu.memory_space<vmem>>
    %dma_wait3A_214 = tpu.memref_squeeze %dma_wait3A_213 : memref<1x128xi32, #tpu.memory_space<vmem>> -> memref<128xi32, #tpu.memory_space<vmem>>
    %dma_wait3A_215 = arith.constant 0 : i32
    %dma_wait3A_216 = arith.constant 0 : i32
    %dma_wait3A_217 = tpu.memref_slice %arg4[%dma_wait3A_215, %dma_wait3A_216] : memref<100000x128xf32, #tpu.memory_space<hbm>> -> memref<100000x128xf32, #tpu.memory_space<hbm>>
    tpu.wait_indirect_dma semaphore(%arg13 : memref<!tpu.dma_semaphore, #tpu.memory_space<semaphore_mem>>) src(%dma_wait3A_217 : memref<100000x128xf32, #tpu.memory_space<hbm>>) dst(%arg10 : memref<128x128xf32, #tpu.memory_space<vmem>>)
    %dma_start3A_218 = arith.constant 0 : i32
    %dma_start3A_219 = tpu.memref_slice %arg5[%mul3A_2, %dma_start3A_218] : memref<4096x128xf32, #tpu.memory_space<hbm>> -> memref<128x128xf32, #tpu.memory_space<hbm>>
    %dma_start3A_220 = arith.constant 0 : i32
    %dma_start3A_221 = tpu.memref_slice %arg5[%mul3A_2, %dma_start3A_220] : memref<4096x128xf32, #tpu.memory_space<hbm>> -> memref<128x128xf32, #tpu.memory_space<hbm>>
    tpu.enqueue_dma source(%arg10 : memref<128x128xf32, #tpu.memory_space<vmem>>) target(%dma_start3A_221 : memref<128x128xf32, #tpu.memory_space<hbm>>) target_semaphore(%arg13 : memref<!tpu.dma_semaphore, #tpu.memory_space<semaphore_mem>>)
    %dma_wait3A_222 = arith.constant 1 : i32
    %dma_wait3A_223 = arith.constant 0 : i32
    %dma_wait3A_224 = tpu.memref_slice %arg9[%dma_wait3A_222, %dma_wait3A_223] : memref<2x128xi32, #tpu.memory_space<vmem>> -> memref<1x128xi32, #tpu.memory_space<vmem>>
    %dma_wait3A_225 = tpu.memref_squeeze %dma_wait3A_224 : memref<1x128xi32, #tpu.memory_space<vmem>> -> memref<128xi32, #tpu.memory_space<vmem>>
    %dma_wait3A_226 = arith.constant 0 : i32
    %dma_wait3A_227 = arith.constant 0 : i32
    %dma_wait3A_228 = tpu.memref_slice %arg4[%dma_wait3A_226, %dma_wait3A_227] : memref<100000x128xf32, #tpu.memory_space<hbm>> -> memref<100000x128xf32, #tpu.memory_space<hbm>>
    tpu.wait_indirect_dma semaphore(%arg14 : memref<!tpu.dma_semaphore, #tpu.memory_space<semaphore_mem>>) src(%dma_wait3A_228 : memref<100000x128xf32, #tpu.memory_space<hbm>>) dst(%arg11 : memref<128x128xf32, #tpu.memory_space<vmem>>)
    %dma_start3A_229 = arith.constant 0 : i32
    %dma_start3A_230 = tpu.memref_slice %arg6[%mul3A_2, %dma_start3A_229] : memref<4096x128xf32, #tpu.memory_space<hbm>> -> memref<128x128xf32, #tpu.memory_space<hbm>>
    %dma_start3A_231 = arith.constant 0 : i32
    %dma_start3A_232 = tpu.memref_slice %arg6[%mul3A_2, %dma_start3A_231] : memref<4096x128xf32, #tpu.memory_space<hbm>> -> memref<128x128xf32, #tpu.memory_space<hbm>>
    tpu.enqueue_dma source(%arg11 : memref<128x128xf32, #tpu.memory_space<vmem>>) target(%dma_start3A_232 : memref<128x128xf32, #tpu.memory_space<hbm>>) target_semaphore(%arg14 : memref<!tpu.dma_semaphore, #tpu.memory_space<semaphore_mem>>)
    %dma_wait3A_233 = arith.constant 4 : i32
    %dma_wait3A_234 = arith.constant 0 : i32
    %dma_wait3A_235 = arith.constant 0 : i32
    %dma_wait3A_236 = tpu.memref_slice %arg12[%dma_wait3A_234, %dma_wait3A_235] : memref<128x128xf32, #tpu.memory_space<vmem>> -> memref<64x128xf32, #tpu.memory_space<vmem>>
    %dma_wait3A_237 = arith.constant 0 : i32
    %dma_wait3A_238 = tpu.memref_slice %arg8[%dma_wait3A_233, %dma_wait3A_237] : memref<5x128xi32, #tpu.memory_space<vmem>> -> memref<1x64xi32, #tpu.memory_space<vmem>>
    %dma_wait3A_239 = tpu.memref_squeeze %dma_wait3A_238 : memref<1x64xi32, #tpu.memory_space<vmem>> -> memref<64xi32, #tpu.memory_space<vmem>>
    %dma_wait3A_240 = arith.constant 0 : i32
    %dma_wait3A_241 = arith.constant 0 : i32
    %dma_wait3A_242 = tpu.memref_slice %arg4[%dma_wait3A_240, %dma_wait3A_241] : memref<100000x128xf32, #tpu.memory_space<hbm>> -> memref<100000x128xf32, #tpu.memory_space<hbm>>
    tpu.wait_indirect_dma semaphore(%arg16 : memref<!tpu.dma_semaphore, #tpu.memory_space<semaphore_mem>>) src(%dma_wait3A_242 : memref<100000x128xf32, #tpu.memory_space<hbm>>) dst(%dma_wait3A_236 : memref<64x128xf32, #tpu.memory_space<vmem>>)
    %add3A_243 = arith.constant 0 : i32
    %add3A_244 = arith.addi %mul3A_2, %add3A_243 : i32
    %dma_start3A_245 = arith.constant 0 : i32
    %dma_start3A_246 = arith.constant 0 : i32
    %dma_start3A_247 = tpu.memref_slice %arg12[%dma_start3A_245, %dma_start3A_246] : memref<128x128xf32, #tpu.memory_space<vmem>> -> memref<64x128xf32, #tpu.memory_space<vmem>>
    %dma_start3A_248 = arith.constant 0 : i32
    %dma_start3A_249 = tpu.memref_slice %arg7[%add3A_244, %dma_start3A_248] : memref<4096x128xf32, #tpu.memory_space<hbm>> -> memref<64x128xf32, #tpu.memory_space<hbm>>
    %dma_start3A_250 = arith.constant 0 : i32
    %dma_start3A_251 = tpu.memref_slice %arg7[%add3A_244, %dma_start3A_250] : memref<4096x128xf32, #tpu.memory_space<hbm>> -> memref<64x128xf32, #tpu.memory_space<hbm>>
    %dma_start3A_252 = arith.constant 0 : i32
    %dma_start3A_253 = arith.constant 0 : i32
    %dma_start3A_254 = tpu.memref_slice %arg12[%dma_start3A_252, %dma_start3A_253] : memref<128x128xf32, #tpu.memory_space<vmem>> -> memref<64x128xf32, #tpu.memory_space<vmem>>
    tpu.enqueue_dma source(%dma_start3A_254 : memref<64x128xf32, #tpu.memory_space<vmem>>) target(%dma_start3A_251 : memref<64x128xf32, #tpu.memory_space<hbm>>) target_semaphore(%arg16 : memref<!tpu.dma_semaphore, #tpu.memory_space<semaphore_mem>>)
    %dma_wait3A_255 = arith.constant 4 : i32
    %dma_wait3A_256 = arith.constant 64 : i32
    %dma_wait3A_257 = arith.constant 0 : i32
    %dma_wait3A_258 = tpu.memref_slice %arg12[%dma_wait3A_256, %dma_wait3A_257] : memref<128x128xf32, #tpu.memory_space<vmem>> -> memref<64x128xf32, #tpu.memory_space<vmem>>
    %dma_wait3A_259 = arith.constant 64 : i32
    %dma_wait3A_260 = tpu.memref_slice %arg8[%dma_wait3A_255, %dma_wait3A_259] : memref<5x128xi32, #tpu.memory_space<vmem>> -> memref<1x64xi32, #tpu.memory_space<vmem>>
    %dma_wait3A_261 = tpu.memref_squeeze %dma_wait3A_260 : memref<1x64xi32, #tpu.memory_space<vmem>> -> memref<64xi32, #tpu.memory_space<vmem>>
    %dma_wait3A_262 = arith.constant 0 : i32
    %dma_wait3A_263 = arith.constant 0 : i32
    %dma_wait3A_264 = tpu.memref_slice %arg4[%dma_wait3A_262, %dma_wait3A_263] : memref<100000x128xf32, #tpu.memory_space<hbm>> -> memref<100000x128xf32, #tpu.memory_space<hbm>>
    tpu.wait_indirect_dma semaphore(%arg17 : memref<!tpu.dma_semaphore, #tpu.memory_space<semaphore_mem>>) src(%dma_wait3A_264 : memref<100000x128xf32, #tpu.memory_space<hbm>>) dst(%dma_wait3A_258 : memref<64x128xf32, #tpu.memory_space<vmem>>)
    %add3A_265 = arith.constant 64 : i32
    %add3A_266 = arith.addi %mul3A_2, %add3A_265 : i32
    %dma_start3A_267 = arith.constant 64 : i32
    %dma_start3A_268 = arith.constant 0 : i32
    %dma_start3A_269 = tpu.memref_slice %arg12[%dma_start3A_267, %dma_start3A_268] : memref<128x128xf32, #tpu.memory_space<vmem>> -> memref<64x128xf32, #tpu.memory_space<vmem>>
    %dma_start3A_270 = arith.constant 0 : i32
    %dma_start3A_271 = tpu.memref_slice %arg7[%add3A_266, %dma_start3A_270] : memref<4096x128xf32, #tpu.memory_space<hbm>> -> memref<64x128xf32, #tpu.memory_space<hbm>>
    %dma_start3A_272 = arith.constant 0 : i32
    %dma_start3A_273 = tpu.memref_slice %arg7[%add3A_266, %dma_start3A_272] : memref<4096x128xf32, #tpu.memory_space<hbm>> -> memref<64x128xf32, #tpu.memory_space<hbm>>
    %dma_start3A_274 = arith.constant 64 : i32
    %dma_start3A_275 = arith.constant 0 : i32
    %dma_start3A_276 = tpu.memref_slice %arg12[%dma_start3A_274, %dma_start3A_275] : memref<128x128xf32, #tpu.memory_space<vmem>> -> memref<64x128xf32, #tpu.memory_space<vmem>>
    tpu.enqueue_dma source(%dma_start3A_276 : memref<64x128xf32, #tpu.memory_space<vmem>>) target(%dma_start3A_273 : memref<64x128xf32, #tpu.memory_space<hbm>>) target_semaphore(%arg17 : memref<!tpu.dma_semaphore, #tpu.memory_space<semaphore_mem>>)
    %dma_wait3A_277 = arith.constant 0 : i32
    %dma_wait3A_278 = tpu.memref_slice %arg5[%mul3A_2, %dma_wait3A_277] : memref<4096x128xf32, #tpu.memory_space<hbm>> -> memref<128x128xf32, #tpu.memory_space<hbm>>
    %dma_wait3A_279 = arith.constant 0 : i32
    %dma_wait3A_280 = tpu.memref_slice %arg5[%mul3A_2, %dma_wait3A_279] : memref<4096x128xf32, #tpu.memory_space<hbm>> -> memref<128x128xf32, #tpu.memory_space<hbm>>
    tpu.wait_dma2 semaphore(%arg13 : memref<!tpu.dma_semaphore, #tpu.memory_space<semaphore_mem>>) src(%arg10 : memref<128x128xf32, #tpu.memory_space<vmem>>) dst(%dma_wait3A_280 : memref<128x128xf32, #tpu.memory_space<hbm>>)
    %dma_wait3A_281 = arith.constant 0 : i32
    %dma_wait3A_282 = tpu.memref_slice %arg6[%mul3A_2, %dma_wait3A_281] : memref<4096x128xf32, #tpu.memory_space<hbm>> -> memref<128x128xf32, #tpu.memory_space<hbm>>
    %dma_wait3A_283 = arith.constant 0 : i32
    %dma_wait3A_284 = tpu.memref_slice %arg6[%mul3A_2, %dma_wait3A_283] : memref<4096x128xf32, #tpu.memory_space<hbm>> -> memref<128x128xf32, #tpu.memory_space<hbm>>
    tpu.wait_dma2 semaphore(%arg14 : memref<!tpu.dma_semaphore, #tpu.memory_space<semaphore_mem>>) src(%arg11 : memref<128x128xf32, #tpu.memory_space<vmem>>) dst(%dma_wait3A_284 : memref<128x128xf32, #tpu.memory_space<hbm>>)
    %dma_wait3A_285 = arith.constant 0 : i32
    %dma_wait3A_286 = arith.constant 0 : i32
    %dma_wait3A_287 = tpu.memref_slice %arg12[%dma_wait3A_285, %dma_wait3A_286] : memref<128x128xf32, #tpu.memory_space<vmem>> -> memref<64x128xf32, #tpu.memory_space<vmem>>
    %dma_wait3A_288 = arith.constant 0 : i32
    %dma_wait3A_289 = tpu.memref_slice %arg7[%add3A_244, %dma_wait3A_288] : memref<4096x128xf32, #tpu.memory_space<hbm>> -> memref<64x128xf32, #tpu.memory_space<hbm>>
    %dma_wait3A_290 = arith.constant 0 : i32
    %dma_wait3A_291 = tpu.memref_slice %arg7[%add3A_244, %dma_wait3A_290] : memref<4096x128xf32, #tpu.memory_space<hbm>> -> memref<64x128xf32, #tpu.memory_space<hbm>>
    %dma_wait3A_292 = arith.constant 0 : i32
    %dma_wait3A_293 = arith.constant 0 : i32
    %dma_wait3A_294 = tpu.memref_slice %arg12[%dma_wait3A_292, %dma_wait3A_293] : memref<128x128xf32, #tpu.memory_space<vmem>> -> memref<64x128xf32, #tpu.memory_space<vmem>>
    tpu.wait_dma2 semaphore(%arg16 : memref<!tpu.dma_semaphore, #tpu.memory_space<semaphore_mem>>) src(%dma_wait3A_294 : memref<64x128xf32, #tpu.memory_space<vmem>>) dst(%dma_wait3A_291 : memref<64x128xf32, #tpu.memory_space<hbm>>)
    %dma_wait3A_295 = arith.constant 64 : i32
    %dma_wait3A_296 = arith.constant 0 : i32
    %dma_wait3A_297 = tpu.memref_slice %arg12[%dma_wait3A_295, %dma_wait3A_296] : memref<128x128xf32, #tpu.memory_space<vmem>> -> memref<64x128xf32, #tpu.memory_space<vmem>>
    %dma_wait3A_298 = arith.constant 0 : i32
    %dma_wait3A_299 = tpu.memref_slice %arg7[%add3A_266, %dma_wait3A_298] : memref<4096x128xf32, #tpu.memory_space<hbm>> -> memref<64x128xf32, #tpu.memory_space<hbm>>
    %dma_wait3A_300 = arith.constant 0 : i32
    %dma_wait3A_301 = tpu.memref_slice %arg7[%add3A_266, %dma_wait3A_300] : memref<4096x128xf32, #tpu.memory_space<hbm>> -> memref<64x128xf32, #tpu.memory_space<hbm>>
    %dma_wait3A_302 = arith.constant 64 : i32
    %dma_wait3A_303 = arith.constant 0 : i32
    %dma_wait3A_304 = tpu.memref_slice %arg12[%dma_wait3A_302, %dma_wait3A_303] : memref<128x128xf32, #tpu.memory_space<vmem>> -> memref<64x128xf32, #tpu.memory_space<vmem>>
    tpu.wait_dma2 semaphore(%arg17 : memref<!tpu.dma_semaphore, #tpu.memory_space<semaphore_mem>>) src(%dma_wait3A_304 : memref<64x128xf32, #tpu.memory_space<vmem>>) dst(%dma_wait3A_301 : memref<64x128xf32, #tpu.memory_space<hbm>>)
    return
  }
}

module attributes {stable_mosaic.version = 14 : i64} {
  func.func @_tc_body(%arg0: i32, %arg1: memref<2048x128xf32, #tpu.memory_space<vmem>>, %arg2: memref<2048x128xf32, #tpu.memory_space<vmem>>, %arg3: memref<2048x128xf32, #tpu.memory_space<vmem>>, %arg4: memref<40x128xf32, #tpu.memory_space<vmem>>, %arg5: memref<1x1xf32, #tpu.memory_space<vmem>>) attributes {dimension_semantics = [#tpu.dimension_semantics<arbitrary>], iteration_bounds = array<i64: 2>, scalar_prefetch = 0 : i64, scratch_operands = 0 : i64, tpu.core_type = #tpu.core_type<tc>, window_params = [{transform_indices = @transform_0, window_bounds = array<i64: 2048, 128>}, {transform_indices = @transform_1, window_bounds = array<i64: 2048, 128>}, {transform_indices = @transform_2, window_bounds = array<i64: 2048, 128>}, {pipeline_mode = #tpu.pipeline_mode<synchronous>, transform_indices = @transform_3, window_bounds = array<i64: 40, 128>}, {pipeline_mode = #tpu.pipeline_mode<synchronous>, transform_indices = @transform_4, window_bounds = array<i64: 1, 1>}]} {
    %get3A = arith.constant 0 : index
    %get3A_0 = arith.constant 0 : index
    %get3A_1 = vector.load %arg1[%get3A, %get3A_0] : memref<2048x128xf32, #tpu.memory_space<vmem>>, vector<2048x128xf32>
    %get3A_2 = arith.constant 0 : index
    %get3A_3 = arith.constant 0 : index
    %get3A_4 = vector.load %arg2[%get3A_2, %get3A_3] : memref<2048x128xf32, #tpu.memory_space<vmem>>, vector<2048x128xf32>
    %get3A_5 = arith.constant 0 : index
    %get3A_6 = arith.constant 0 : index
    %get3A_7 = vector.load %arg3[%get3A_5, %get3A_6] : memref<2048x128xf32, #tpu.memory_space<vmem>>, vector<2048x128xf32>
    %broadcast_in_dim3A = arith.constant 1.000000e+00 : f32
    %broadcast_in_dim3A_8 = vector.broadcast %broadcast_in_dim3A : f32 to vector<1x128xf32>
    %mul3A = arith.mulf %get3A_1, %get3A_4 : vector<2048x128xf32>
    %dot_general3A = arith.constant dense<0.000000e+00> : vector<1x2048xf32>
    %dot_general3A_9 = tpu.matmul %broadcast_in_dim3A_8, %mul3A, %dot_general3A {dimension_numbers = #tpu.dot_dimension_numbers<[1], [1], [0], [0], [0, 0, 1, 0], [], []>, transpose_lhs_hint = false} : vector<1x128xf32>, vector<2048x128xf32>, vector<1x2048xf32> -> vector<1x2048xf32>
    %mul3A_10 = arith.mulf %get3A_1, %get3A_7 : vector<2048x128xf32>
    %dot_general3A_11 = arith.constant dense<0.000000e+00> : vector<1x2048xf32>
    %dot_general3A_12 = tpu.matmul %broadcast_in_dim3A_8, %mul3A_10, %dot_general3A_11 {dimension_numbers = #tpu.dot_dimension_numbers<[1], [1], [0], [0], [0, 0, 1, 0], [], []>, transpose_lhs_hint = false} : vector<1x128xf32>, vector<2048x128xf32>, vector<1x2048xf32> -> vector<1x2048xf32>
    %neg3A = arith.constant 0.000000e+00 : f32
    %neg3A_13 = vector.broadcast %neg3A : f32 to vector<1x2048xf32>
    %neg3A_14 = arith.subf %neg3A_13, %dot_general3A_12 : vector<1x2048xf32>
    %min3A = arith.constant 0.000000e+00 : f32
    %min3A_15 = vector.broadcast %min3A : f32 to vector<1x2048xf32>
    %min3A_16 = arith.minimumf %dot_general3A_9, %min3A_15 : vector<1x2048xf32>
    %abs3A = math.absf %dot_general3A_9 : vector<1x2048xf32>
    %neg3A_17 = arith.constant 0.000000e+00 : f32
    %neg3A_18 = vector.broadcast %neg3A_17 : f32 to vector<1x2048xf32>
    %neg3A_19 = arith.subf %neg3A_18, %abs3A : vector<1x2048xf32>
    %exp3A = math.exp %neg3A_19 : vector<1x2048xf32>
    %add3A = arith.constant 1.000000e+00 : f32
    %add3A_20 = vector.broadcast %add3A : f32 to vector<1x2048xf32>
    %add3A_21 = arith.addf %add3A_20, %exp3A : vector<1x2048xf32>
    %log3A = math.log %add3A_21 : vector<1x2048xf32>
    %sub3A = arith.subf %min3A_16, %log3A : vector<1x2048xf32>
    %min3A_22 = arith.constant 0.000000e+00 : f32
    %min3A_23 = vector.broadcast %min3A_22 : f32 to vector<1x2048xf32>
    %min3A_24 = arith.minimumf %neg3A_14, %min3A_23 : vector<1x2048xf32>
    %abs3A_25 = math.absf %neg3A_14 : vector<1x2048xf32>
    %neg3A_26 = arith.constant 0.000000e+00 : f32
    %neg3A_27 = vector.broadcast %neg3A_26 : f32 to vector<1x2048xf32>
    %neg3A_28 = arith.subf %neg3A_27, %abs3A_25 : vector<1x2048xf32>
    %exp3A_29 = math.exp %neg3A_28 : vector<1x2048xf32>
    %add3A_30 = arith.constant 1.000000e+00 : f32
    %add3A_31 = vector.broadcast %add3A_30 : f32 to vector<1x2048xf32>
    %add3A_32 = arith.addf %add3A_31, %exp3A_29 : vector<1x2048xf32>
    %log3A_33 = math.log %add3A_32 : vector<1x2048xf32>
    %sub3A_34 = arith.subf %min3A_24, %log3A_33 : vector<1x2048xf32>
    %add3A_35 = arith.addf %sub3A, %sub3A_34 : vector<1x2048xf32>
    %reduce_sum3A = vector.shape_cast %add3A_35 : vector<1x2048xf32> to vector<1x1x2048xf32>
    %reduce_sum3A_36 = arith.constant dense<0.000000e+00> : vector<1xf32>
    %reduce_sum3A_37 = vector.multi_reduction <add>, %reduce_sum3A, %reduce_sum3A_36 [1, 2] : vector<1x1x2048xf32> to vector<1xf32>
    %reduce_sum3A_38 = vector.shape_cast %reduce_sum3A_37 : vector<1xf32> to vector<1x1x1xf32>
    %reduce_sum3A_39 = vector.extract %reduce_sum3A_38[0, 0, 0] : f32 from vector<1x1x1xf32>
    %get3A_40 = arith.constant 0 : index
    %get3A_41 = arith.constant 0 : index
    %get3A_42 = vector.load %arg4[%get3A_40, %get3A_41] : memref<40x128xf32, #tpu.memory_space<vmem>>, vector<40x128xf32>
    %dot_general3A_43 = arith.constant dense<0.000000e+00> : vector<40x2048xf32>
    %dot_general3A_44 = tpu.matmul %get3A_42, %get3A_1, %dot_general3A_43 {dimension_numbers = #tpu.dot_dimension_numbers<[1], [1], [0], [0], [0, 0, 1, 0], [], []>, transpose_lhs_hint = false} : vector<40x128xf32>, vector<2048x128xf32>, vector<40x2048xf32> -> vector<40x2048xf32>
    %mul3A_45 = arith.mulf %get3A_42, %get3A_42 : vector<40x128xf32>
    %reduce_sum3A_46 = arith.constant dense<0.000000e+00> : vector<40xf32>
    %reduce_sum3A_47 = vector.multi_reduction <add>, %mul3A_45, %reduce_sum3A_46 [1] : vector<40x128xf32> to vector<40xf32>
    %broadcast_in_dim3A_48 = vector.shape_cast %reduce_sum3A_47 : vector<40xf32> to vector<40x1xf32>
    %mul3A_49 = arith.constant 2.000000e+00 : f32
    %mul3A_50 = vector.broadcast %mul3A_49 : f32 to vector<40x2048xf32>
    %mul3A_51 = arith.mulf %mul3A_50, %dot_general3A_44 : vector<40x2048xf32>
    %sub3A_52 = vector.broadcast %broadcast_in_dim3A_48 : vector<40x1xf32> to vector<40x2048xf32>
    %sub3A_53 = arith.subf %sub3A_52, %mul3A_51 : vector<40x2048xf32>
    %reduce_min3A = arith.constant dense<0x7F800000> : vector<2048xf32>
    %reduce_min3A_54 = vector.multi_reduction <minimumf>, %sub3A_53, %reduce_min3A [0] : vector<40x2048xf32> to vector<2048xf32>
    %broadcast_in_dim3A_55 = vector.shape_cast %reduce_min3A_54 : vector<2048xf32> to vector<1x2048xf32>
    %reduce_sum3A_56 = vector.shape_cast %broadcast_in_dim3A_55 : vector<1x2048xf32> to vector<1x1x2048xf32>
    %reduce_sum3A_57 = arith.constant dense<0.000000e+00> : vector<1xf32>
    %reduce_sum3A_58 = vector.multi_reduction <add>, %reduce_sum3A_56, %reduce_sum3A_57 [1, 2] : vector<1x1x2048xf32> to vector<1xf32>
    %reduce_sum3A_59 = vector.shape_cast %reduce_sum3A_58 : vector<1xf32> to vector<1x1x1xf32>
    %reduce_sum3A_60 = vector.extract %reduce_sum3A_59[0, 0, 0] : f32 from vector<1x1x1xf32>
    %mul3A_61 = arith.mulf %get3A_1, %get3A_1 : vector<2048x128xf32>
    %reduce_sum3A_62 = vector.shape_cast %mul3A_61 : vector<2048x128xf32> to vector<1x2048x128xf32>
    %reduce_sum3A_63 = arith.constant dense<0.000000e+00> : vector<1xf32>
    %reduce_sum3A_64 = vector.multi_reduction <add>, %reduce_sum3A_62, %reduce_sum3A_63 [1, 2] : vector<1x2048x128xf32> to vector<1xf32>
    %reduce_sum3A_65 = vector.shape_cast %reduce_sum3A_64 : vector<1xf32> to vector<1x1x1xf32>
    %reduce_sum3A_66 = vector.extract %reduce_sum3A_65[0, 0, 0] : f32 from vector<1x1x1xf32>
    %add3A_67 = arith.addf %reduce_sum3A_60, %reduce_sum3A_66 : f32
    %div3A = arith.constant 4.096000e+03 : f32
    %div3A_68 = arith.divf %reduce_sum3A_39, %div3A : f32
    %neg3A_69 = arith.constant 0.000000e+00 : f32
    %neg3A_70 = arith.subf %neg3A_69, %div3A_68 : f32
    %mul3A_71 = arith.constant 2.44140637E-7 : f32
    %mul3A_72 = arith.mulf %mul3A_71, %add3A_67 : f32
    %add3A_73 = arith.addf %neg3A_70, %mul3A_72 : f32
    %eq3A = arith.constant 0 : i32
    %eq3A_74 = arith.cmpi eq, %arg0, %eq3A : i32
    %convert_element_type3A = arith.extui %eq3A_74 : i1 to i32
    %cond3A = arith.constant 0 : i32
    %cond3A_75 = arith.cmpi ne, %convert_element_type3A, %cond3A : i32
    scf.if %cond3A_75 {
      %broadcast_in_dim3A_82 = arith.constant 0.000000e+00 : f32
      %broadcast_in_dim3A_83 = vector.broadcast %broadcast_in_dim3A_82 : f32 to vector<1x1xf32>
      %swap3A_84 = arith.constant 0 : index
      %swap3A_85 = arith.constant 0 : index
      %swap3A_86 = vector.load %arg5[%swap3A_84, %swap3A_85] : memref<1x1xf32, #tpu.memory_space<vmem>>, vector<1x1xf32>
      tpu.vector_store %arg5[%swap3A_84, %swap3A_85], %broadcast_in_dim3A_83 {strides = array<i32>} : memref<1x1xf32, #tpu.memory_space<vmem>>, vector<1x1xf32>,
    } else {
    }
    %get3A_76 = arith.constant 0 : index
    %get3A_77 = arith.constant 0 : index
    %get3A_78 = vector.load %arg5[%get3A_76, %get3A_77] : memref<1x1xf32, #tpu.memory_space<vmem>>, vector<1x1xf32>
    %reshape3A = vector.broadcast %add3A_73 : f32 to vector<1x1xf32>
    %add3A_79 = arith.addf %get3A_78, %reshape3A : vector<1x1xf32>
    %swap3A = arith.constant 0 : index
    %swap3A_80 = arith.constant 0 : index
    %swap3A_81 = vector.load %arg5[%swap3A, %swap3A_80] : memref<1x1xf32, #tpu.memory_space<vmem>>, vector<1x1xf32>
    tpu.vector_store %arg5[%swap3A, %swap3A_80], %add3A_79 {strides = array<i32>} : memref<1x1xf32, #tpu.memory_space<vmem>>, vector<1x1xf32>,
    return
  }
  func.func @transform_0(%arg0: i32) -> (i32, i32) {
    %c0_i32 = arith.constant 0 : i32
    %c0_i32_0 = arith.constant 0 : i32
    return %arg0, %c0_i32 : i32, i32
  }
  func.func @transform_1(%arg0: i32) -> (i32, i32) {
    %c0_i32 = arith.constant 0 : i32
    %c0_i32_0 = arith.constant 0 : i32
    return %arg0, %c0_i32 : i32, i32
  }
  func.func @transform_2(%arg0: i32) -> (i32, i32) {
    %c0_i32 = arith.constant 0 : i32
    %c0_i32_0 = arith.constant 0 : i32
    return %arg0, %c0_i32 : i32, i32
  }
  func.func @transform_3(%arg0: i32) -> (i32, i32) {
    %c0_i32 = arith.constant 0 : i32
    %c0_i32_0 = arith.constant 0 : i32
    %c0_i32_1 = arith.constant 0 : i32
    return %c0_i32, %c0_i32_0 : i32, i32
  }
  func.func @transform_4(%arg0: i32) -> (i32, i32) {
    %c0_i32 = arith.constant 0 : i32
    %c0_i32_0 = arith.constant 0 : i32
    %c0_i32_1 = arith.constant 0 : i32
    return %c0_i32, %c0_i32_0 : i32, i32
  }
}

</mosaic_0001>

<sc_bundles>
// kernel: kernel.4.cloned.1.call-start
scs
__scs_entry_jumppad:
0x0: {  	(pc) =	sbr.rel $0x88, $3  }
0x1: {  	(tag) =	ssettag $0x0;
	lr =	simm.s32 $0x1  }
0x2: {  	[smem:$0x3F9C] =	sst lr;
	_ =	strace $0xD0000000  }
0x3: {  	_ = 	snop  }
0x4: {  	_ = 	snop  }
0x5: {  	_ = 	snop  }
0x6: {  	_ = 	snop  }
0x7: {  	_ = 	snop  }
__scs_overlays_trampoline_lowered:
0x8: {  	[smem:$0x3FAB] =	sst s0  }
0x9: {  	[smem:$0x3FAC] =	sst s1  }
0xa: {  	[smem:$0x3FAD] =	sst s2  }
0xb: {  	[smem:$0x3FAE] =	sst s3  }
0xc: {  	[smem:$0x3FAF] =	sst s4  }
0xd: {  	[smem:$0x3FB0] =	sst s5  }
0xe: {  	[smem:$0x3FB1] =	sst s6  }
0xf: {  	[smem:$0x3FB2] =	sst s7  }
0x10: {  	[smem:$0x3FB3] =	sst s8  }
0x11: {  	[smem:$0x3FB4] =	sst s9;
	s0 =	simm.s32 @!p0 $0x0  }
0x12: {  	s1 =	sld [smem:$0x3F9A];
	s0 =	simm.s32 @p0 $0x1  }
0x13: {  	[smem:$0x3FB5] =	sst s0;
	s0 =	simm.s32 @!p1 $0x0  }
0x14: {  	s2 =	sld [smem:$0x3F99];
	s0 =	simm.s32 @p1 $0x1  }
0x15: {  	[smem:$0x3FB6] =	sst s0;
	s0 =	simm.s32 @!p2 $0x0  }
0x16: {  	s3 =	sld [smem:$0x3FDB];
	s0 =	simm.s32 @p2 $0x1  }
0x17: {  	s4 =	simm.s32 $0x1BF5;
	[smem:$0x3FB8] =	sst s0  }
0x18: {  	s0 =	sld [smem:$0x3F9B];
	_ =	swait.ge [sflag:s4], $0x0  }
0x19: {  	s7 =	sld [smem:$0x3F9C]  }
0x1a: {  	s8 =	sadd.s32 $0xFFFFE003, lr  }
0x1b: {  	s9 =	sadd.s32 $0xFFFFFEF7, lr;
	s5 =	simm.s32 $0xFFFFFFFF;
	p2 =	slt.u32 s8, $0xFFFFF086  }
0x1c: {  	p1 =	slt.u32 s9, $0xF7A;
	s5 =	simm.s32 @!p2 $0x0  }
0x1d: {  	s5 =	simm.s32 @p1 $0x1;
	p0 =	seq.s32 s7, s2  }
0x1e: {  	s7 =	smul.u32 @!p0 $0xF7A, s2;
	p2 =	seq.s32 @!p0 s5, $0x0  }
0x1f: {  	s9 =	smul.u32 $0xF7A, s1;
	s8 =	simm.s32 @!p0 $0x1BF5;
	p2 =	por !p2, p0  }
0x20: {  	[sflag:s8] =	ssyncset.s32 @!p0 $0xFFFFF086;
	s6 =	sadd.s32 @!p0 s3, s7;
	s7 =	simm.s32 @!p0 $0x108  }
0x21: {  	s3 =	sadd.s32 s3, s9;
	s6 =	sadd.s32 @!p0 $0x88, s6;
	s7 =	simm.s32 @p2 $0x1082  }
0x22: {  	[simem:s7], [sflag:s8] =	dma.local @!p0 [hbm:s6], $0xF7A  }
0x23: {  	s9 =	sor.u32 $0xD0000000, s2;
	s6 =	simm.s32 $0x108;
	_ =	swait.ge @!p0 [sflag:s8], $0x0  }
0x24: {  	s3 =	sadd.s32 $0x88, s3;
	s6 =	simm.s32 @!p1 $0x1082;
	[sflag:s4] =	ssyncset.s32 $0xFFFFF086  }
0x25: {  	[simem:s6], [sflag:s4] =	dma.local [hbm:s3], $0xF7A  }
0x26: {  	[smem:$0x3F9C] =	sst s1;
	(tag) =	ssettag s2;
	_ =	strace s9  }
0x27: {  	s1 =	sld [smem:$0x3FAC]  }
0x28: {  	s2 =	sld [smem:$0x3FAD]  }
0x29: {  	s4 =	sld [smem:$0x3FAF]  }
0x2a: {  	p0 =	seq.s32 s5, $0x0;
	s5 =	sld [smem:$0x3FB0]  }
0x2b: {  	s6 =	sld [smem:$0x3FB1]  }
0x2c: {  	s7 =	sld [smem:$0x3FB2]  }
0x2d: {  	s3 =	simm.s32 $0x108;
	s8 =	sld [smem:$0x3FB3]  }
0x2e: {  	s3 =	simm.s32 @!p0 $0x1082;
	s9 =	sld [smem:$0x3FB4]  }
0x2f: {  	lr =	sadd.s32 s0, s3;
	s0 =	sld [smem:$0x3FAB]  }
0x30: {  	s3 =	sld [smem:$0x3FAE]  }
0x31: {  	[smem:$0x3FB7] =	sst s10  }
0x32: {  	s10 =	sld [smem:$0x3FB5];
	_ =	sdelay $0x3  }
0x33: {  	p0 =	seq.s32 s10, $0x1;
	s10 =	sld [smem:$0x3FB7];
	_ =	sdelay $0x3  }
0x34: {  	[smem:$0x3FB7] =	sst s10  }
0x35: {  	s10 =	sld [smem:$0x3FB6];
	_ =	sdelay $0x3  }
0x36: {  	p1 =	seq.s32 s10, $0x1;
	s10 =	sld [smem:$0x3FB7];
	_ =	sdelay $0x3  }
0x37: {  	[smem:$0x3FB7] =	sst s10  }
0x38: {  	s10 =	sld [smem:$0x3FB8]  }
0x39: {  	_ = 	snop;
	(pc) =	sbr.ind lr, $3  }
0x3a: {  	_ = 	snop  }
0x3b: {  	_ = 	snop  }
0x3c: {  	p2 =	seq.s32 s10, $0x1;
	s10 =	sld [smem:$0x3FB7]  }
0x3d: {  	_ =	shalt  }
0x3e: {  	_ =	shalt  }
0x3f: {  	_ =	shalt  }
0x40: {  	_ =	shalt  }
0x41: {  	_ =	shalt  }
0x42: {  	_ =	shalt  }
0x43: {  	_ =	shalt  }
0x44: {  	_ =	shalt  }
0x45: {  	_ =	shalt  }
0x46: {  	_ =	shalt  }
0x47: {  	_ =	shalt  }
0x48: {  	_ =	shalt  }
0x49: {  	_ =	shalt  }
0x4a: {  	_ =	shalt  }
0x4b: {  	_ =	shalt  }
0x4c: {  	_ =	shalt  }
0x4d: {  	_ =	shalt  }
0x4e: {  	_ =	shalt  }
0x4f: {  	_ =	shalt  }
0x50: {  	_ =	shalt  }
0x51: {  	_ =	shalt  }
0x52: {  	_ =	shalt  }
0x53: {  	_ =	shalt  }
0x54: {  	_ =	shalt  }
0x55: {  	_ =	shalt  }
0x56: {  	_ =	shalt  }
0x57: {  	_ =	shalt  }
0x58: {  	_ =	shalt  }
0x59: {  	_ =	shalt  }
0x5a: {  	_ =	shalt  }
0x5b: {  	_ =	shalt  }
0x5c: {  	_ =	shalt  }
0x5d: {  	_ =	shalt  }
0x5e: {  	_ =	shalt  }
0x5f: {  	_ =	shalt  }
0x60: {  	_ =	shalt  }
0x61: {  	_ =	shalt  }
0x62: {  	_ =	shalt  }
0x63: {  	_ =	shalt  }
0x64: {  	_ =	shalt  }
0x65: {  	_ =	shalt  }
0x66: {  	_ =	shalt  }
0x67: {  	_ =	shalt  }
0x68: {  	_ =	shalt  }
0x69: {  	_ =	shalt  }
0x6a: {  	_ =	shalt  }
0x6b: {  	_ =	shalt  }
0x6c: {  	_ =	shalt  }
0x6d: {  	_ =	shalt  }
0x6e: {  	_ =	shalt  }
0x6f: {  	_ =	shalt  }
0x70: {  	_ =	shalt  }
0x71: {  	_ =	shalt  }
0x72: {  	_ =	shalt  }
0x73: {  	_ =	shalt  }
0x74: {  	_ =	shalt  }
0x75: {  	_ =	shalt  }
0x76: {  	_ =	shalt  }
0x77: {  	_ =	shalt  }
0x78: {  	_ =	shalt  }
0x79: {  	_ =	shalt  }
0x7a: {  	_ =	shalt  }
0x7b: {  	_ =	shalt  }
0x7c: {  	_ =	shalt  }
0x7d: {  	_ =	shalt  }
0x7e: {  	_ =	shalt  }
0x7f: {  	_ =	shalt  }
0x80: {  	_ =	shalt  }
0x81: {  	_ =	shalt  }
0x82: {  	_ =	shalt  }
0x83: {  	_ =	shalt  }
0x84: {  	_ =	shalt  }
0x85: {  	_ =	shalt  }
0x86: {  	_ =	shalt  }
0x87: {  	_ =	shalt  }
.Lfunc_end0:
.L_simem_size_0:
called_computation_lowered:
.L_overlay_start_0:
0x88: {  	s2 =	sld [smem:$0x3FD9]  }
0x89: {  	s3 =	sld [smem:$0x3FFE];
	_ =	sdelay $0x1  }
0x8a: {  	s1 =	srdreg.scid  }
0x8b: {  	s0 =	sand.u32 $0x1, s1  }
0x8c: {  	s17 =	sshll.u32 s0, $0xA;
	s2 =	sadd.s32 s3, s2  }
0x8d: {  	s2 =	sadd.s32 s2, s17  }
0x8e: {  	[smem:$0x3FC3] =	sst s2  }
0x8f: {  	_ = 	snop  }
0x90: {  	s2 =	sld [smem:$0x3FC7]  }
0x91: {  	s18 =	sld [smem:$0x3FC6];
	(tm) =	ssettm $0x1  }
0x92: {  	s4 =	sld [smem:$0x3FFB];
	_ =	sdelay $0x3  }
0x93: {  	_ =	strace s4  }
0x94: {  	s4 =	sld [smem:$0x3FFC];
	_ =	sdelay $0x3  }
0x95: {  	_ =	strace s4  }
0x96: {  	s4 =	sld [smem:$0x3FFD];
	_ =	sdelay $0x3  }
0x97: {  	_ =	strace s4  }
0x98: {  	_ =	strace $0x8FFFFFFF  }
0x99: {  	s19 =	sld [smem:$0x3FDB];
	_ =	sdelay $0x1  }
0x9a: {  	s5 =	simm.s32 $_scs_section_size  }
0x9b: {  	s6 =	simm.s32 $_size__tile_overlayer_lowered;
	s7 =	simm.s32 $_tile_overlayer_lowered  }
0x9c: {  	s22 =	simm.s32 $0x1BFF;
	s21 =	sshll.u32 s7, $0x1;
	s4 =	sadd.s32 s5, s19  }
0x9d: {  	s8 =	simm.s32 $0x0;
	s20 =	sshll.u32 s6, $0x1;
	s6 =	sadd.s32 s21, s4  }
0x9e: {  	[timem:s8], [sflag:s22] =	dma.local [hbm:s6], s20  }
0x9f: {  	_ =	swait.ge [sflag:s22], s20  }
0xa0: {  	s5 =	ssub.s32 $0x0, s20;
	[sflag:s22] =	ssyncset.done $0x0  }
0xa1: {  	[sflag:s22] =	ssyncadd.s32 s5;
	_ =	sdelay $0x1  }
0xa2: {  	s23 =	simm.s32 $0x1B8B  }
0xa3: {  	_ =	swait.ge [sflag:s23], $0x1  }
0xa4: {  	[sflag:s23] =	ssyncset.done $0x0  }
0xa5: {  	s25 =	simm.s32 $0x1B8E;
	s24 =	sld [smem:$0x3FFE];
	[sflag:s23] =	ssyncadd.s32 $0xFFFFFFFF  }
0xa6: {  	s26 =	simm.s32 $execute0_lowered;
	[smem:$0x3FD2] =	sst s25  }
0xa7: {  	s6 =	sshll.u32 s26, $0x1;
	_ =	strace $0x80000046;
	[dreg:$0x1] =	wrdreg $0xFFFFFFFF  }
0xa8: {  	s28 =	simm.s32 $_size_execute0_lowered;
	s4 =	sadd.s32 s4, s6;
	[dreg:$0x0] =	wrdreg $0x0  }
0xa9: {  	s6 =	sshll.u32 s28, $0x1;
	[dreg:$0x2] =	wrdreg s4  }
0xaa: {  	[dreg:$0x3] =	wrdreg s6  }
0xab: {  	[dreg:$0x4] =	wrdreg $0xC0  }
0xac: {  	_ =	task [dreg:s8], $0x5FFFF  }
0xad: {  	[dreg:$0x1] =	wrdreg $0xFFFFFFFF  }
0xae: {  	[dreg:$0x0] =	wrdreg $0x60  }
0xaf: {  	[dreg:$0x2] =	wrdreg s2  }
0xb0: {  	[dreg:$0x3] =	wrdreg s24  }
0xb1: {  	[dreg:$0x4] =	wrdreg s18  }
0xb2: {  	[dreg:$0x5] =	wrdreg $0x9  }
0xb3: {  	_ =	task.clear_ibuf [dreg:s8], $0x6FFFF;
	_ =	strace $0x90000046  }
0xb4: {  	s29 =	simm.s32 $0x9;
	_ =	strace $0x80000048  }
0xb5: {  	_ =	swait.ge [sflag:s29], $0x1  }
0xb6: {  	[sflag:s29] =	ssyncadd.s32 $0xFFFFFFFF  }
0xb7: {  	_ =	strace $0x90000048  }
0xb8: {  	_ =	sfence  }
0xb9: {  	s30 =	sld [smem:$0x0];
	_ =	sdelay $0x2  }
0xba: {  	s31 =	sshll.u32 s1, $0xD;
	s1 =	sshrl.u32 s1, $0x2  }
0xbb: {  	s3 =	sand.u32 $0x4000, s31;
	s1 =	sadd.s32 s1, s30  }
0xbc: {  	s0 =	sor.u32 s3, s0;
	s1 =	sshll.u32 s1, $0x11  }
0xbd: {  	s0 =	sor.u32 s1, s0  }
0xbe: {  	s0 =	sadd.s32 $0x8F2B, s0  }
0xbf: {  	[sflag:s0] =	ssyncadd.remote.s32 $0x1  }
0xc0: {  	_ =	sfence.sel $0xFFFF  }
0xc1: {  	[dreg:$0x0] =	wrdreg $0xFFFFFFFF;
	(pc) =	sbr.abs _section_cstart, $3  }
0xc2: {  	[dreg:$0x1] =	wrdreg $0xFFFFFFFF  }
0xc3: {  	_ =	task.clear_ibuf [dreg:s8], $0x2FFFF;
	_ =	strace $0x9FFFFFFF  }
0xc4: {  	(tm) =	ssettm $0x7FFFFFFF  }
0xc5: {  	_ =	shalt  }
tec
execute0_lowered:
.L_overlay_start_1:
0x0: {  	(tag) =	ssettag $0x1  }
0x1: {  	s1 =	srdreg.scid;
	s0 =	stileid.u32  }
0x2: {  	s4 =	rddreg [dreg:$0x0];
	s31 =	sand.u32 $0x1, s1;
	s5 =	sshll.u32 s0, $0x1  }
0x3: {  	s25 =	rddreg [dreg:$0x1];
	s26 =	sor.u32 s31, s5  }
0x4: {  	s2 =	rddreg [dreg:$0x2];
	s3 =	simm.s32 $0x0;
	s5 =	sshll.u32 s26, $0x7  }
0x5: {  	[smem:$0x7FF] =	sst s3;
	s4 =	sadd.s32 s4, s5  }
0x6: {  	_ =	strace $0x80000047;
	[dreg:$0x4] =	wrdreg s4  }
0x7: {  	s4 =	simm.s32 $0x6;
	s23 =	rddreg [dreg:$0x4]  }
0x8: {  	[tilespmem:s3], [sflag:$0x6] =	stream.linear.gather [hbm4b:s23+s3], $0x280, $0x38;
	[tilespmem:$0xC500] =	vst v63  }
0x9: {  	s24 =	sshll.u32 s26, $0x5;
	_ =	swait.ge [sflag:s4], $0x280  }
0xa: {  	s5 =	sadd.s32 s24, s25;
	[sflag:s4] =	ssyncset.done $0x0  }
0xb: {  	s6 =	simm.s32 $0x400;
	s5 =	sadd.s32 $0x1000, s5;
	[sflag:s4] =	ssyncadd.s32 $0xFFFFFD80  }
0xc: {  	[tilespmem:s6], [sflag:$0x3] =	stream.linear.gather [hbm4b:s5+s3], $0x100, $0x38;
	[tilespmem:$0xC500] =	vst v63  }
0xd: {  	s7 =	simm.s32 $0x40;
	s8 =	simm.s32 $0x8500  }
0xe: {  	[tilespmem:s8], [sflag:$0x4] =	stream.indirect.gather [hbm4b:s2+s7], $0x80, s3, s7, $0xb8;
	[tilespmem:$0xC500] =	vst v63  }
0xf: {  	s9 =	simm.s32 $0xA500;
	s10 =	simm.s32 $0x3  }
0x10: {  	[tilespmem:s9], [sflag:$0x5] =	stream.indirect.gather [hbm4b:s2+s7], $0x80, s7, s7, $0xb8;
	[tilespmem:$0xC500] =	vst v63  }
0x11: {  	_ =	swait.ge [sflag:s10], $0x100  }
0x12: {  	[sflag:s10] =	ssyncset.done $0x0  }
0x13: {  	s11 =	simm.s32 $0x80;
	s12 =	simm.s32 $0x500;
	[sflag:s10] =	ssyncadd.s32 $0xFFFFFF00  }
0x14: {  	[tilespmem:s12], [sflag:$0x1] =	stream.indirect.gather [hbm4b:s2+s11], $0x80, s6, s11, $0xb8;
	[tilespmem:$0xC500] =	vst v63  }
0x15: {  	s13 =	simm.s32 $0x480;
	s14 =	simm.s32 $0x4500;
	s15 =	simm.s32 $0x4  }
0x16: {  	[tilespmem:s14], [sflag:$0x2] =	stream.indirect.gather [hbm4b:s2+s11], $0x80, s13, s11, $0xb8;
	[tilespmem:$0xC500] =	vst v63  }
0x17: {  	_ =	swait.ge [sflag:s15], $0x2000  }
0x18: {  	[sflag:s15] =	ssyncset.done $0x0  }
0x19: {  	s16 =	simm.s32 $0x5;
	[sflag:s15] =	ssyncadd.s32 $0xFFFFE000  }
0x1a: {  	[tilespmem:s8], [sflag:$0x4] =	stream.indirect.gather.add.f32 [hbm:s2], $0x80, s11, s7, $0xb8;
	[tilespmem:$0xC500] =	vst v63  }
0x1b: {  	_ =	swait.ge [sflag:s16], $0x2000  }
0x1c: {  	[sflag:s16] =	ssyncset.done $0x0  }
0x1d: {  	s17 =	simm.s32 $0xC0;
	[sflag:s16] =	ssyncadd.s32 $0xFFFFE000  }
0x1e: {  	[tilespmem:s9], [sflag:$0x5] =	stream.indirect.gather.add.f32 [hbm:s2], $0x80, s17, s7, $0xb8;
	[tilespmem:$0xC500] =	vst v63  }
0x1f: {  	_ =	swait.ge [sflag:s15], $0x2000  }
0x20: {  	[sflag:s15] =	ssyncset.done $0x0  }
0x21: {  	s18 =	simm.s32 $0x100;
	[sflag:s15] =	ssyncadd.s32 $0xFFFFE000  }
0x22: {  	[tilespmem:s8], [sflag:$0x4] =	stream.indirect.gather.add.f32 [hbm:s2], $0x80, s18, s7, $0xb8;
	[tilespmem:$0xC500] =	vst v63  }
0x23: {  	_ =	swait.ge [sflag:s16], $0x2000  }
0x24: {  	[sflag:s16] =	ssyncset.done $0x0  }
0x25: {  	s19 =	simm.s32 $0x140;
	[sflag:s16] =	ssyncadd.s32 $0xFFFFE000  }
0x26: {  	[tilespmem:s9], [sflag:$0x5] =	stream.indirect.gather.add.f32 [hbm:s2], $0x80, s19, s7, $0xb8;
	[tilespmem:$0xC500] =	vst v63  }
0x27: {  	_ =	swait.ge [sflag:s15], $0x2000  }
0x28: {  	[sflag:s15] =	ssyncset.done $0x0  }
0x29: {  	s20 =	simm.s32 $0x180;
	[sflag:s15] =	ssyncadd.s32 $0xFFFFE000  }
0x2a: {  	[tilespmem:s8], [sflag:$0x4] =	stream.indirect.gather.add.f32 [hbm:s2], $0x80, s20, s7, $0xb8;
	[tilespmem:$0xC500] =	vst v63  }
0x2b: {  	_ =	swait.ge [sflag:s16], $0x2000  }
0x2c: {  	[sflag:s16] =	ssyncset.done $0x0  }
0x2d: {  	s21 =	simm.s32 $0x1C0;
	[sflag:s16] =	ssyncadd.s32 $0xFFFFE000  }
0x2e: {  	[tilespmem:s9], [sflag:$0x5] =	stream.indirect.gather.add.f32 [hbm:s2], $0x80, s21, s7, $0xb8;
	[tilespmem:$0xC500] =	vst v63  }
0x2f: {  	_ =	swait.ge [sflag:s15], $0x2000  }
0x30: {  	[sflag:s15] =	ssyncset.done $0x0  }
0x31: {  	s22 =	simm.s32 $0x200;
	[sflag:s15] =	ssyncadd.s32 $0xFFFFE000  }
0x32: {  	[tilespmem:s8], [sflag:$0x4] =	stream.indirect.gather.add.f32 [hbm:s2], $0x80, s22, s7, $0xb8;
	[tilespmem:$0xC500] =	vst v63  }
0x33: {  	_ =	swait.ge [sflag:s16], $0x2000  }
0x34: {  	[sflag:s16] =	ssyncset.done $0x0  }
0x35: {  	s24 =	simm.s32 $0x1;
	s23 =	simm.s32 $0x240;
	[sflag:s16] =	ssyncadd.s32 $0xFFFFE000  }
0x36: {  	[tilespmem:s9], [sflag:$0x5] =	stream.indirect.gather.add.f32 [hbm:s2], $0x80, s23, s7, $0xb8;
	[tilespmem:$0xC500] =	vst v63  }
0x37: {  	s26 =	sshll.u32 s26, $0xB;
	_ =	swait.ge [sflag:s24], $0x4000  }
0x38: {  	s30 =	sadd.s32 s26, s25;
	[sflag:s24] =	ssyncset.done $0x0  }
0x39: {  	s26 =	simm.s32 $0x2;
	s25 =	sadd.s32 $0x1400, s30;
	[sflag:s24] =	ssyncadd.s32 $0xFFFFC000  }
0x3a: {  	[hbm4b:s25+s3] =	stream.linear.scatter [tilespmem:s12], [sflag:$0x1], $0x4000, $0x38;
	[tilespmem:$0xC500] =	vst v63  }
0x3b: {  	_ =	swait.ge [sflag:s26], $0x4000  }
0x3c: {  	[sflag:s26] =	ssyncset.done $0x0  }
0x3d: {  	s28 =	sadd.s32 $0x11400, s30;
	[sflag:s26] =	ssyncadd.s32 $0xFFFFC000  }
0x3e: {  	[hbm4b:s28+s3] =	stream.linear.scatter [tilespmem:s14], [sflag:$0x2], $0x4000, $0x38;
	[tilespmem:$0xC500] =	vst v63  }
0x3f: {  	_ =	swait.ge [sflag:s15], $0x2000  }
0x40: {  	[sflag:s15] =	ssyncset.done $0x0  }
0x41: {  	s29 =	sadd.s32 $0x21400, s30;
	[sflag:s15] =	ssyncadd.s32 $0xFFFFE000  }
0x42: {  	[hbm4b:s29+s3] =	stream.linear.scatter [tilespmem:s8], [sflag:$0x4], $0x2000, $0x38;
	[tilespmem:$0xC500] =	vst v63  }
0x43: {  	_ =	swait.ge [sflag:s16], $0x2000  }
0x44: {  	[sflag:s16] =	ssyncset.done $0x0  }
0x45: {  	s30 =	sadd.s32 $0x21800, s30;
	[sflag:s16] =	ssyncadd.s32 $0xFFFFE000  }
0x46: {  	[hbm4b:s30+s3] =	stream.linear.scatter [tilespmem:s9], [sflag:$0x5], $0x2000, $0x38;
	[tilespmem:$0xC500] =	vst v63  }
0x47: {  	s31 =	ssub.s32 $0x2, s31;
	_ =	swait.ge [sflag:s24], $0x4000  }
0x48: {  	s1 =	sshrl.u32 s31, $0x1;
	[sflag:s24] =	ssyncset.done $0x0  }
0x49: {  	s1 =	ssub.s32 s31, s1;
	[sflag:s24] =	ssyncadd.s32 $0xFFFFC000  }
0x4a: {  	s1 =	smax.u32 s1, $0x1;
	_ =	swait.ge [sflag:s26], $0x4000  }
0x4b: {  	p0 =	sne.s32 s1, $0x1;
	[sflag:s26] =	ssyncset.done $0x0  }
.Ltmp0:
0x4c: {  	[sflag:s26] =	ssyncadd.s32 $0xFFFFC000;
	(pc) =	sbr.rel @!p0 .LBB2_2-.Ltmp0, $4  }
0x4d: {  	_ =	swait.ge [sflag:s15], $0x2000  }
0x4e: {  	[sflag:s15] =	ssyncset.done $0x0  }
0x4f: {  	[sflag:s15] =	ssyncadd.s32 $0xFFFFE000  }
0x50: {  	s31 =	sadd.s32 $0xFFFFFFFF, s1;
	_ =	swait.ge [sflag:s16], $0x2000  }
.LBB2_1:
0x51: {  	[sflag:s16] =	ssyncset.done $0x0  }
0x52: {  	s1 =	rddreg [dreg:$0x4];
	[sflag:s16] =	ssyncadd.s32 $0xFFFFE000  }
0x53: {  	[tilespmem:s3], [sflag:$0x6] =	stream.linear.gather [hbm4b:s1+s3], $0x280, $0x38;
	[tilespmem:$0xC500] =	vst v63  }
0x54: {  	_ =	swait.ge [sflag:s4], $0x280  }
0x55: {  	[sflag:s4] =	ssyncset.done $0x0  }
0x56: {  	[sflag:s4] =	ssyncadd.s32 $0xFFFFFD80  }
0x57: {  	[tilespmem:s6], [sflag:$0x3] =	stream.linear.gather [hbm4b:s5+s3], $0x100, $0x38;
	[tilespmem:$0xC500] =	vst v63  }
0x58: {  	_ = 	snop  }
0x59: {  	[tilespmem:s8], [sflag:$0x4] =	stream.indirect.gather [hbm4b:s2+s7], $0x80, s3, s7, $0xb8;
	[tilespmem:$0xC500] =	vst v63  }
0x5a: {  	_ = 	snop  }
0x5b: {  	[tilespmem:s9], [sflag:$0x5] =	stream.indirect.gather [hbm4b:s2+s7], $0x80, s7, s7, $0xb8;
	[tilespmem:$0xC500] =	vst v63  }
0x5c: {  	_ =	swait.ge [sflag:s10], $0x100  }
0x5d: {  	[sflag:s10] =	ssyncset.done $0x0  }
0x5e: {  	[sflag:s10] =	ssyncadd.s32 $0xFFFFFF00  }
0x5f: {  	[tilespmem:s12], [sflag:$0x1] =	stream.indirect.gather [hbm4b:s2+s11], $0x80, s6, s11, $0xb8;
	[tilespmem:$0xC500] =	vst v63  }
0x60: {  	_ = 	snop  }
0x61: {  	[tilespmem:s14], [sflag:$0x2] =	stream.indirect.gather [hbm4b:s2+s11], $0x80, s13, s11, $0xb8;
	[tilespmem:$0xC500] =	vst v63  }
0x62: {  	_ =	swait.ge [sflag:s15], $0x2000  }
0x63: {  	[sflag:s15] =	ssyncset.done $0x0  }
0x64: {  	[sflag:s15] =	ssyncadd.s32 $0xFFFFE000  }
0x65: {  	[tilespmem:s8], [sflag:$0x4] =	stream.indirect.gather.add.f32 [hbm:s2], $0x80, s11, s7, $0xb8;
	[tilespmem:$0xC500] =	vst v63  }
0x66: {  	_ =	swait.ge [sflag:s16], $0x2000  }
0x67: {  	[sflag:s16] =	ssyncset.done $0x0  }
0x68: {  	[sflag:s16] =	ssyncadd.s32 $0xFFFFE000  }
0x69: {  	[tilespmem:s9], [sflag:$0x5] =	stream.indirect.gather.add.f32 [hbm:s2], $0x80, s17, s7, $0xb8;
	[tilespmem:$0xC500] =	vst v63  }
0x6a: {  	_ =	swait.ge [sflag:s15], $0x2000  }
0x6b: {  	[sflag:s15] =	ssyncset.done $0x0  }
0x6c: {  	[sflag:s15] =	ssyncadd.s32 $0xFFFFE000  }
0x6d: {  	[tilespmem:s8], [sflag:$0x4] =	stream.indirect.gather.add.f32 [hbm:s2], $0x80, s18, s7, $0xb8;
	[tilespmem:$0xC500] =	vst v63  }
0x6e: {  	_ =	swait.ge [sflag:s16], $0x2000  }
0x6f: {  	[sflag:s16] =	ssyncset.done $0x0  }
0x70: {  	[sflag:s16] =	ssyncadd.s32 $0xFFFFE000  }
0x71: {  	[tilespmem:s9], [sflag:$0x5] =	stream.indirect.gather.add.f32 [hbm:s2], $0x80, s19, s7, $0xb8;
	[tilespmem:$0xC500] =	vst v63  }
0x72: {  	_ =	swait.ge [sflag:s15], $0x2000  }
0x73: {  	[sflag:s15] =	ssyncset.done $0x0  }
0x74: {  	[sflag:s15] =	ssyncadd.s32 $0xFFFFE000  }
0x75: {  	[tilespmem:s8], [sflag:$0x4] =	stream.indirect.gather.add.f32 [hbm:s2], $0x80, s20, s7, $0xb8;
	[tilespmem:$0xC500] =	vst v63  }
0x76: {  	_ =	swait.ge [sflag:s16], $0x2000  }
0x77: {  	[sflag:s16] =	ssyncset.done $0x0  }
0x78: {  	[sflag:s16] =	ssyncadd.s32 $0xFFFFE000  }
0x79: {  	[tilespmem:s9], [sflag:$0x5] =	stream.indirect.gather.add.f32 [hbm:s2], $0x80, s21, s7, $0xb8;
	[tilespmem:$0xC500] =	vst v63  }
0x7a: {  	_ =	swait.ge [sflag:s15], $0x2000  }
0x7b: {  	[sflag:s15] =	ssyncset.done $0x0  }
0x7c: {  	[sflag:s15] =	ssyncadd.s32 $0xFFFFE000  }
0x7d: {  	[tilespmem:s8], [sflag:$0x4] =	stream.indirect.gather.add.f32 [hbm:s2], $0x80, s22, s7, $0xb8;
	[tilespmem:$0xC500] =	vst v63  }
0x7e: {  	_ =	swait.ge [sflag:s16], $0x2000  }
0x7f: {  	[sflag:s16] =	ssyncset.done $0x0  }
0x80: {  	[sflag:s16] =	ssyncadd.s32 $0xFFFFE000  }
0x81: {  	[tilespmem:s9], [sflag:$0x5] =	stream.indirect.gather.add.f32 [hbm:s2], $0x80, s23, s7, $0xb8;
	[tilespmem:$0xC500] =	vst v63  }
0x82: {  	_ =	swait.ge [sflag:s24], $0x4000  }
0x83: {  	[sflag:s24] =	ssyncset.done $0x0  }
0x84: {  	[sflag:s24] =	ssyncadd.s32 $0xFFFFC000  }
0x85: {  	[hbm4b:s25+s3] =	stream.linear.scatter [tilespmem:s12], [sflag:$0x1], $0x4000, $0x38;
	[tilespmem:$0xC500] =	vst v63  }
0x86: {  	_ =	swait.ge [sflag:s26], $0x4000  }
0x87: {  	[sflag:s26] =	ssyncset.done $0x0  }
0x88: {  	[sflag:s26] =	ssyncadd.s32 $0xFFFFC000  }
0x89: {  	[hbm4b:s28+s3] =	stream.linear.scatter [tilespmem:s14], [sflag:$0x2], $0x4000, $0x38;
	[tilespmem:$0xC500] =	vst v63  }
0x8a: {  	_ =	swait.ge [sflag:s15], $0x2000  }
0x8b: {  	[sflag:s15] =	ssyncset.done $0x0  }
0x8c: {  	[sflag:s15] =	ssyncadd.s32 $0xFFFFE000  }
0x8d: {  	[hbm4b:s29+s3] =	stream.linear.scatter [tilespmem:s8], [sflag:$0x4], $0x2000, $0x38;
	[tilespmem:$0xC500] =	vst v63  }
0x8e: {  	_ =	swait.ge [sflag:s16], $0x2000  }
0x8f: {  	[sflag:s16] =	ssyncset.done $0x0  }
0x90: {  	[sflag:s16] =	ssyncadd.s32 $0xFFFFE000  }
0x91: {  	[hbm4b:s30+s3] =	stream.linear.scatter [tilespmem:s9], [sflag:$0x5], $0x2000, $0x38;
	[tilespmem:$0xC500] =	vst v63  }
0x92: {  	_ =	swait.ge [sflag:s24], $0x4000  }
0x93: {  	[sflag:s24] =	ssyncset.done $0x0  }
0x94: {  	[sflag:s24] =	ssyncadd.s32 $0xFFFFC000  }
0x95: {  	_ =	swait.ge [sflag:s26], $0x4000  }
0x96: {  	p0 =	sne.s32 s31, $0x1;
	[sflag:s26] =	ssyncset.done $0x0  }
.Ltmp1:
0x97: {  	[sflag:s26] =	ssyncadd.s32 $0xFFFFC000;
	(pc) =	sbr.rel @p0 .LBB2_1-.Ltmp1, $4  }
0x98: {  	_ =	swait.ge [sflag:s15], $0x2000  }
0x99: {  	[sflag:s15] =	ssyncset.done $0x0  }
0x9a: {  	[sflag:s15] =	ssyncadd.s32 $0xFFFFE000  }
0x9b: {  	s31 =	sadd.s32 $0xFFFFFFFF, s31;
	_ =	swait.ge [sflag:s16], $0x2000  }
.LBB2_2:
0x9c: {  	[sflag:s16] =	ssyncset.done $0x0  }
0x9d: {  	[sflag:s16] =	ssyncadd.s32 $0xFFFFE000  }
0x9e: {  	_ =	sfence.sel $0x180000  }
0x9f: {  	[bflag:$0x0] =	sbarrier.arrive $0xFFFF  }
0xa0: {  	_ =	strace $0x90000047  }
0xa1: {  	[bflag:$0x2] =	sbarrier.arrive $0xFFFF  }
0xa2: {  	p0 =	sne.s32 s0, $0x0;
	s0 =	rddreg [dreg:$0x3]  }
0xa3: {  	s0 =	sadd.s32 @!p0 $0x100000, s0  }
0xa4: {  	[sflag:s0] =	ssyncadd.tile.s32 @!p0 $0x1;
	_ =	shalt  }
.Lfunc_end2:
_tile_overlayer_lowered:
.L_overlay_start_2:
0xa5: {  	(tag) =	ssettag $0x2  }
0xa6: {  	s0 =	rddreg [dreg:$0x0];
	s2 =	stileid.u32  }
0xa7: {  	s1 =	rddreg [dreg:$0x1];
	p0 =	sne.s32 s2, $0x0  }
0xa8: {  	s3 =	rddreg [dreg:$0x2];
	[bflag:$0x3] =	sbarrier.arrive $0xFFFF;
	s2 =	simm.s32 @!p0 $0x1C06  }
0xa9: {  	[timem:s3], [sflag:s2] =	dma.local @!p0 [hbm:s0], s1  }
0xaa: {  	s0 =	simm.s32 @!p0 $0x6  }
0xab: {  	_ =	swait.ge @!p0 [sflag:s0], s1  }
0xac: {  	s1 =	ssub.s32 @!p0 $0x0, s1;
	[sflag:s0] =	ssyncset.done @!p0 $0x0  }
0xad: {  	[sflag:s0] =	ssyncadd.s32 @!p0 s1  }
0xae: {  	[bflag:$0x3] =	sbarrier.arrive $0xFFFF  }
0xaf: {  	_ =	shalt  }

</sc_bundles>
